<compile_context>
chip_gen: v7x
topology: tpu7x:2x2x1
jax: 0.10.2.dev20260603
libtpu: 0.0.44.dev20260713+nightly
codegen_flags: <defaults>
</compile_context>

<pallas_src>
import functools

import jax
import jax.numpy as jnp
from jax import lax
from jax.experimental import pallas as pl
from jax.experimental.pallas import tpu as pltpu, tpu_sc as plsc

N_V = 10000
N_V_PAD = 10240
E = 320000
D = 16
CHUNK = 128
N_CHUNKS = E // CHUNK
NC, NS = 2, 16
EH_ROWS = N_CHUNKS // 2
BLK = 125
NBLK = EH_ROWS // BLK
GROUPS = BLK * CHUNK // D

_mesh = plsc.VectorSubcoreMesh(core_axis_name="c", subcore_axis_name="s")


@functools.partial(
    pl.kernel,
    out_type=jax.ShapeDtypeStruct((D, N_V), jnp.float32),
    mesh=_mesh,
    compiler_params=pltpu.CompilerParams(
        use_tc_tiling_on_sc=False, needs_layout_passes=False),
    scratch_types=[
        pltpu.VMEM((2, BLK, CHUNK), jnp.int32),
        pltpu.VMEM((2, BLK, CHUNK), jnp.float32),
        pltpu.VMEM((N_V_PAD,), jnp.float32),
        pltpu.VMEM((N_V_PAD,), jnp.float32),
        pltpu.VMEM_SHARED((NS, N_V_PAD), jnp.float32),
        pltpu.VMEM_SHARED((N_CHUNKS, CHUNK), jnp.int32),
        pltpu.SemaphoreType.DMA,
        pltpu.SemaphoreType.DMA,
        pltpu.SemaphoreType.DMA,
        pltpu.SemaphoreType.DMA,
    ],
)
def _scatter_sc(idx_hbm, edge_hbm, out_hbm, idx_v, val_v, acc_v, peer_v,
                xch, idx_spm, sem_f0, sem_f1, sem_i0, sem_i1):
    c = lax.axis_index("c")
    s = lax.axis_index("s")
    f = s % 8
    h = s // 8
    row0 = h * EH_ROWS
    sem_f = (sem_f0, sem_f1)
    sem_i = (sem_i0, sem_i1)

    SROWS = N_CHUNKS // NS
    SLEFT = N_CHUNKS - SROWS * NS
    sr0 = pl.multiple_of(s * SROWS, 4)
    pltpu.sync_copy(idx_hbm.at[pl.ds(sr0, SROWS), 1, :],
                    idx_spm.at[pl.ds(sr0, SROWS)])

    @pl.when(s < SLEFT)
    def _():
        pltpu.sync_copy(idx_hbm.at[NS * SROWS + s, 1, :],
                        idx_spm.at[NS * SROWS + s])

    zero = jnp.zeros((D,), jnp.float32)

    @plsc.parallel_loop(0, N_V_PAD // D, unroll=8)
    def _z(i):
        acc_v[pl.ds(i * D, D)] = zero

    plsc.subcore_barrier()

    def _fill(blk, b):
        r = row0 + blk * BLK
        pltpu.async_copy(idx_spm.at[pl.ds(r, BLK)], idx_v.at[b],
                         sem_i[b])
        pltpu.async_copy(edge_hbm.at[c, pl.ds(r, BLK), f, :], val_v.at[b],
                         sem_f[b])

    def _wait_fill(b):
        pltpu.make_async_copy(idx_spm.at[pl.ds(0, BLK)],
                              idx_v.at[b], sem_i[b]).wait()
        pltpu.make_async_copy(edge_hbm.at[0, pl.ds(0, BLK), 0, :],
                              val_v.at[b], sem_f[b]).wait()

    _fill(0, 0)

    def _pair(p, carry):
        for b in range(2):
            k = p * 2 + b
            _wait_fill(b)

            @pl.when(k + 1 < NBLK)
            def _():
                _fill(k + 1, 1 - b)

            @plsc.parallel_loop(0, BLK, unroll=5)
            def _row(r):
                for j in range(CHUNK // D):
                    sl = pl.ds(j * D, D)
                    plsc.addupdate_scatter(
                        acc_v, [idx_v[b, r, sl]], val_v[b, r, sl])

        return carry

    lax.fori_loop(0, NBLK // 2, _pair, 0)

    pltpu.sync_copy(acc_v, xch.at[s])
    plsc.subcore_barrier()

    @pl.when(h == 0)
    def _():
        pltpu.sync_copy(xch.at[s + 8], peer_v)

        @plsc.parallel_loop(0, N_V_PAD // D, unroll=8)
        def _add(i):
            sl = pl.ds(i * D, D)
            acc_v[sl] = acc_v[sl] + peer_v[sl]

        pltpu.sync_copy(acc_v.at[pl.ds(0, N_V)],
                        out_hbm.at[c * 8 + f])


def kernel(vertex_attr, edgeij_pair, edge_attr, g, batch):
    idx = (edgeij_pair.astype(jnp.int32)
           .reshape(2, N_CHUNKS, CHUNK).transpose(1, 0, 2))
    edges = (edge_attr.T.reshape(2, 8, N_CHUNKS, CHUNK)
             .transpose(0, 2, 1, 3))
    out_t = _scatter_sc(idx, edges)
    return out_t.T

# --- scband reference (transcript-rebuilt; emitter-appended) ---
"""Pipeline reference for scband-vertex-update-91096256348947 (READ-ONLY COPY).

The authoritative reference and input builder live on the scoring server;
editing this copy changes nothing except your own understanding.
"""

import jax, jax.numpy as jnp
import numpy as np

N_VERTICES = 10000
N_EDGES = 320000
D_FEAT = 128
D_EDGE = 16


def scatter_sum_aggregation(edgeij_pair, A_ij, n_vertices):
    # Aggregate edge attributes onto destination vertices (row 1 of edgeij_pair).
    dst = edgeij_pair[1]
    out = jnp.zeros((n_vertices, A_ij.shape[1]), dtype=A_ij.dtype)
    out = out.at[dst].add(A_ij)
    return out


def setup_inputs(seed: int = 0) -> dict:
    key = jax.random.key(seed)
    k1, k2, k3, k4 = jax.random.split(key, 4)
    vertex_attr = jax.random.normal(k1, (N_VERTICES, D_FEAT), dtype=jnp.float32)
    edgeij_pair = jax.random.randint(k2, (2, N_EDGES), 0, N_VERTICES, dtype=jnp.int64) if jax.config.jax_enable_x64 else jax.random.randint(k2, (2, N_EDGES), 0, N_VERTICES, dtype=jnp.int32)
    edge_attr = jax.random.normal(k3, (N_EDGES, D_EDGE), dtype=jnp.float32)
    g = 1
    batch = jax.random.randint(k4, (N_VERTICES,), 0, 1, dtype=jnp.int32)
    return {"vertex_attr": vertex_attr, "edgeij_pair": edgeij_pair, "edge_attr": edge_attr, "g": g, "batch": batch}


def reference(vertex_attr, edgeij_pair, edge_attr, g, batch):
    A_ij = edge_attr
    n_vertices = vertex_attr.shape[0]
    cbar_i = scatter_sum_aggregation(edgeij_pair, A_ij, n_vertices)
    vi = cbar_i
    return vi

if __name__ == "__main__":
    import jax
    _d = setup_inputs()
    print(jax.jit(kernel)(*tuple(_d.values())))

</pallas_src>

<mosaic_0001>
#map = affine_map<(d0, d1) -> (0, 0, 0)>
#map1 = affine_map<(d0, d1) -> (0, 0, 0, 0)>
#map2 = affine_map<(d0, d1) -> (0, 0)>
module attributes {stable_mosaic.version = 14 : i64} {
  func.func @_scatter_sc(%arg0: i32, %arg1: i32, %arg2: memref<2500x2x128xi32, #tpu.memory_space<hbm>>, %arg3: memref<2x2500x8x128xf32, #tpu.memory_space<hbm>>, %arg4: memref<16x10000xf32, #tpu.memory_space<hbm>>, %arg5: memref<2x125x128xi32, #tpu.memory_space<vmem>>, %arg6: memref<2x125x128xf32, #tpu.memory_space<vmem>>, %arg7: memref<10240xf32, #tpu.memory_space<vmem>>, %arg8: memref<10240xf32, #tpu.memory_space<vmem>>, %arg9: memref<16x10240xf32, #tpu.memory_space<vmem_shared>>, %arg10: memref<2500x128xi32, #tpu.memory_space<vmem_shared>>, %arg11: memref<!tpu.dma_semaphore, #tpu.memory_space<semaphore_mem>>, %arg12: memref<!tpu.dma_semaphore, #tpu.memory_space<semaphore_mem>>, %arg13: memref<!tpu.dma_semaphore, #tpu.memory_space<semaphore_mem>>, %arg14: memref<!tpu.dma_semaphore, #tpu.memory_space<semaphore_mem>>) attributes {dimension_semantics = [#tpu.dimension_semantics<core_parallel>, #tpu.dimension_semantics<subcore_parallel>], iteration_bounds = array<i64: 2, 16>, scalar_prefetch = 0 : i64, scratch_operands = 10 : i64, tpu.core_type = #tpu.core_type<sc_vector_subcore>, window_params = [{transform_indices = #map}, {transform_indices = #map1}, {transform_indices = #map2}]} {
    %jit3A = arith.constant 8 : i32
    %eq3A = arith.constant 0 : i32
    %eq3A_0 = arith.cmpi eq, %jit3A, %eq3A : i32
    %jit3A_1 = arith.constant 1 : i32
    %select_n3A = arith.select %eq3A_0, %jit3A_1, %jit3A : i32
    %rem3A = arith.remsi %arg1, %select_n3A : i32
    %ne3A = arith.constant 0 : i32
    %ne3A_2 = arith.cmpi ne, %rem3A, %ne3A : i32
    %lt3A = arith.constant 0 : i32
    %lt3A_3 = arith.cmpi slt, %rem3A, %lt3A : i32
    %lt3A_4 = arith.constant 0 : i32
    %lt3A_5 = arith.cmpi slt, %select_n3A, %lt3A_4 : i32
    %ne3A_6 = arith.xori %lt3A_3, %lt3A_5 : i1
    %and3A = arith.andi %ne3A_6, %ne3A_2 : i1
    %add3A = arith.addi %rem3A, %select_n3A : i32
    %select_n3A_7 = arith.select %and3A, %add3A, %rem3A : i32
    %jit3A_8 = arith.constant 8 : i32
    %div3A = arith.divsi %arg1, %jit3A_8 : i32
    %sign3A = arith.constant 0 : i32
    %sign3A_9 = arith.cmpi sgt, %arg1, %sign3A : i32
    %sign3A_10 = arith.extui %sign3A_9 : i1 to i32
    %sign3A_11 = arith.constant 0 : i32
    %sign3A_12 = arith.cmpi slt, %arg1, %sign3A_11 : i32
    %sign3A_13 = arith.extui %sign3A_12 : i1 to i32
    %sign3A_14 = arith.subi %sign3A_10, %sign3A_13 : i32
    %sign3A_15 = arith.constant 0 : i32
    %sign3A_16 = arith.cmpi sgt, %jit3A_8, %sign3A_15 : i32
    %sign3A_17 = arith.extui %sign3A_16 : i1 to i32
    %sign3A_18 = arith.constant 0 : i32
    %sign3A_19 = arith.cmpi slt, %jit3A_8, %sign3A_18 : i32
    %sign3A_20 = arith.extui %sign3A_19 : i1 to i32
    %sign3A_21 = arith.subi %sign3A_17, %sign3A_20 : i32
    %ne3A_22 = arith.cmpi ne, %sign3A_14, %sign3A_21 : i32
    %rem3A_23 = arith.remsi %arg1, %jit3A_8 : i32
    %ne3A_24 = arith.constant 0 : i32
    %ne3A_25 = arith.cmpi ne, %rem3A_23, %ne3A_24 : i32
    %and3A_26 = arith.andi %ne3A_22, %ne3A_25 : i1
    %sub3A = arith.constant 1 : i32
    %sub3A_27 = arith.subi %div3A, %sub3A : i32
    %select_n3A_28 = arith.select %and3A_26, %sub3A_27, %div3A : i32
    %mul3A = arith.constant 1250 : i32
    %mul3A_29 = arith.muli %select_n3A_28, %mul3A : i32
    %mul3A_30 = arith.constant 156 : i32
    %mul3A_31 = arith.muli %arg1, %mul3A_30 : i32
    %multiple_of3A = tpu.assume_multiple %mul3A_31, 4 : i32
    %run_scoped3A = arith.constant 1 : i32
    "tpu.region"() ({
      %run_scoped3A_78 = tpu.sem_alloc : memref<!tpu.dma_semaphore, #tpu.memory_space<semaphore_mem>>
      %dma_start3A_79 = arith.constant 0 : i32
      %dma_start3A_80 = tpu.memref_slice %arg10[%multiple_of3A, %dma_start3A_79] : memref<2500x128xi32, #tpu.memory_space<vmem_shared>> -> memref<156x128xi32, #tpu.memory_space<vmem_shared>>
      %dma_start3A_81 = arith.constant 0 : i32
      %dma_start3A_82 = tpu.memref_slice %arg2[%multiple_of3A, %run_scoped3A, %dma_start3A_81] : memref<2500x2x128xi32, #tpu.memory_space<hbm>> -> memref<156x1x128xi32, #tpu.memory_space<hbm>>
      %dma_start3A_83 = tpu.memref_squeeze %dma_start3A_82 : memref<156x1x128xi32, #tpu.memory_space<hbm>> -> memref<156x128xi32, #tpu.memory_space<hbm>>
      tpu.enqueue_dma source(%dma_start3A_83 : memref<156x128xi32, #tpu.memory_space<hbm>>) target(%dma_start3A_80 : memref<156x128xi32, #tpu.memory_space<vmem_shared>>) target_semaphore(%run_scoped3A_78 : memref<!tpu.dma_semaphore, #tpu.memory_space<semaphore_mem>>)
      %dma_wait3A = arith.constant 0 : i32
      %dma_wait3A_84 = tpu.memref_slice %arg10[%multiple_of3A, %dma_wait3A] : memref<2500x128xi32, #tpu.memory_space<vmem_shared>> -> memref<156x128xi32, #tpu.memory_space<vmem_shared>>
      %dma_wait3A_85 = arith.constant 0 : i32
      %dma_wait3A_86 = tpu.memref_slice %arg2[%multiple_of3A, %run_scoped3A, %dma_wait3A_85] : memref<2500x2x128xi32, #tpu.memory_space<hbm>> -> memref<156x1x128xi32, #tpu.memory_space<hbm>>
      %dma_wait3A_87 = tpu.memref_squeeze %dma_wait3A_86 : memref<156x1x128xi32, #tpu.memory_space<hbm>> -> memref<156x128xi32, #tpu.memory_space<hbm>>
      tpu.wait_dma2 semaphore(%run_scoped3A_78 : memref<!tpu.dma_semaphore, #tpu.memory_space<semaphore_mem>>) src(%dma_wait3A_87 : memref<156x128xi32, #tpu.memory_space<hbm>>) dst(%dma_wait3A_84 : memref<156x128xi32, #tpu.memory_space<vmem_shared>>)
      tpu.yield
    }) : () -> ()
    %lt3A_32 = arith.constant 4 : i32
    %lt3A_33 = arith.cmpi slt, %arg1, %lt3A_32 : i32
    %convert_element_type3A = arith.extui %lt3A_33 : i1 to i32
    %cond3A = arith.constant 0 : i32
    %cond3A_34 = arith.cmpi ne, %convert_element_type3A, %cond3A : i32
    scf.if %cond3A_34 {
      %add3A_78 = arith.constant 2496 : i32
      %add3A_79 = arith.addi %add3A_78, %arg1 : i32
      %add3A_80 = arith.constant 2496 : i32
      %add3A_81 = arith.addi %add3A_80, %arg1 : i32
      %run_scoped3A_82 = arith.constant 1 : i32
      "tpu.region"() ({
        %run_scoped3A_83 = tpu.sem_alloc : memref<!tpu.dma_semaphore, #tpu.memory_space<semaphore_mem>>
        %dma_start3A_84 = arith.constant 0 : i32
        %dma_start3A_85 = tpu.memref_slice %arg10[%add3A_81, %dma_start3A_84] : memref<2500x128xi32, #tpu.memory_space<vmem_shared>> -> memref<1x128xi32, #tpu.memory_space<vmem_shared>>
        %dma_start3A_86 = tpu.memref_squeeze %dma_start3A_85 : memref<1x128xi32, #tpu.memory_space<vmem_shared>> -> memref<128xi32, #tpu.memory_space<vmem_shared>>
        %dma_start3A_87 = arith.constant 0 : i32
        %dma_start3A_88 = tpu.memref_slice %arg2[%add3A_79, %run_scoped3A_82, %dma_start3A_87] : memref<2500x2x128xi32, #tpu.memory_space<hbm>> -> memref<1x1x128xi32, #tpu.memory_space<hbm>>
        %dma_start3A_89 = tpu.memref_squeeze %dma_start3A_88 : memref<1x1x128xi32, #tpu.memory_space<hbm>> -> memref<128xi32, #tpu.memory_space<hbm>>
        tpu.enqueue_dma source(%dma_start3A_89 : memref<128xi32, #tpu.memory_space<hbm>>) target(%dma_start3A_86 : memref<128xi32, #tpu.memory_space<vmem_shared>>) target_semaphore(%run_scoped3A_83 : memref<!tpu.dma_semaphore, #tpu.memory_space<semaphore_mem>>)
        %dma_wait3A = arith.constant 0 : i32
        %dma_wait3A_90 = tpu.memref_slice %arg10[%add3A_81, %dma_wait3A] : memref<2500x128xi32, #tpu.memory_space<vmem_shared>> -> memref<1x128xi32, #tpu.memory_space<vmem_shared>>
        %dma_wait3A_91 = tpu.memref_squeeze %dma_wait3A_90 : memref<1x128xi32, #tpu.memory_space<vmem_shared>> -> memref<128xi32, #tpu.memory_space<vmem_shared>>
        %dma_wait3A_92 = arith.constant 0 : i32
        %dma_wait3A_93 = tpu.memref_slice %arg2[%add3A_79, %run_scoped3A_82, %dma_wait3A_92] : memref<2500x2x128xi32, #tpu.memory_space<hbm>> -> memref<1x1x128xi32, #tpu.memory_space<hbm>>
        %dma_wait3A_94 = tpu.memref_squeeze %dma_wait3A_93 : memref<1x1x128xi32, #tpu.memory_space<hbm>> -> memref<128xi32, #tpu.memory_space<hbm>>
        tpu.wait_dma2 semaphore(%run_scoped3A_83 : memref<!tpu.dma_semaphore, #tpu.memory_space<semaphore_mem>>) src(%dma_wait3A_94 : memref<128xi32, #tpu.memory_space<hbm>>) dst(%dma_wait3A_91 : memref<128xi32, #tpu.memory_space<vmem_shared>>)
        tpu.yield
      }) : () -> ()
    } else {
    }
    %broadcast_in_dim3A = arith.constant 0.000000e+00 : f32
    %broadcast_in_dim3A_35 = vector.broadcast %broadcast_in_dim3A : f32 to vector<16xf32>
    %parallel_loop3A = arith.constant 0 : i32
    %parallel_loop3A_36 = arith.constant 640 : i32
    %parallel_loop3A_37 = arith.constant 1 : i32
    scf.for %parallel_loop3A_78 = %parallel_loop3A to %parallel_loop3A_36 step %parallel_loop3A_37  : i32 {
      %parallel_loop3A_79 = arith.constant 16 : i32
      %parallel_loop3A_80 = arith.muli %parallel_loop3A_78, %parallel_loop3A_79 : i32
      %parallel_loop3A_81 = arith.index_cast %parallel_loop3A_80 : i32 to index
      %parallel_loop3A_82 = tpu.vector_load %arg7[%parallel_loop3A_81] {strides = array<i32>} : memref<10240xf32, #tpu.memory_space<vmem>>, vector<16xf32>,
      tpu.vector_store %arg7[%parallel_loop3A_81], %broadcast_in_dim3A_35 {strides = array<i32>} : memref<10240xf32, #tpu.memory_space<vmem>>, vector<16xf32>,
    } {sc.loop_unroll_factor = 8 : i64, sc.parallel_access}
    %barrier3A = arith.constant 0 : index
    tpu.barrier barrier_id(%barrier3A)
    %add3A_38 = arith.constant 0 : i32
    %add3A_39 = arith.addi %mul3A_29, %add3A_38 : i32
    %dma_start3A = arith.constant 0 : i32
    %dma_start3A_40 = arith.constant 0 : i32
    %dma_start3A_41 = arith.constant 0 : i32
    %dma_start3A_42 = tpu.memref_slice %arg5[%dma_start3A, %dma_start3A_40, %dma_start3A_41] : memref<2x125x128xi32, #tpu.memory_space<vmem>> -> memref<1x125x128xi32, #tpu.memory_space<vmem>>
    %dma_start3A_43 = tpu.memref_squeeze %dma_start3A_42 : memref<1x125x128xi32, #tpu.memory_space<vmem>> -> memref<125x128xi32, #tpu.memory_space<vmem>>
    %dma_start3A_44 = arith.constant 0 : i32
    %dma_start3A_45 = tpu.memref_slice %arg10[%add3A_39, %dma_start3A_44] : memref<2500x128xi32, #tpu.memory_space<vmem_shared>> -> memref<125x128xi32, #tpu.memory_space<vmem_shared>>
    %dma_start3A_46 = arith.constant 0 : i32
    %dma_start3A_47 = arith.constant 0 : i32
    %dma_start3A_48 = tpu.memref_slice %arg5[%dma_start3A, %dma_start3A_46, %dma_start3A_47] : memref<2x125x128xi32, #tpu.memory_space<vmem>> -> memref<1x125x128xi32, #tpu.memory_space<vmem>>
    %dma_start3A_49 = tpu.memref_squeeze %dma_start3A_48 : memref<1x125x128xi32, #tpu.memory_space<vmem>> -> memref<125x128xi32, #tpu.memory_space<vmem>>
    %dma_start3A_50 = arith.constant 0 : i32
    %dma_start3A_51 = tpu.memref_slice %arg10[%add3A_39, %dma_start3A_50] : memref<2500x128xi32, #tpu.memory_space<vmem_shared>> -> memref<125x128xi32, #tpu.memory_space<vmem_shared>>
    tpu.enqueue_dma source(%dma_start3A_51 : memref<125x128xi32, #tpu.memory_space<vmem_shared>>) target(%dma_start3A_49 : memref<125x128xi32, #tpu.memory_space<vmem>>) target_semaphore(%arg13 : memref<!tpu.dma_semaphore, #tpu.memory_space<semaphore_mem>>)
    %dma_start3A_52 = arith.constant 0 : i32
    %dma_start3A_53 = arith.constant 0 : i32
    %dma_start3A_54 = arith.constant 0 : i32
    %dma_start3A_55 = tpu.memref_slice %arg6[%dma_start3A_52, %dma_start3A_53, %dma_start3A_54] : memref<2x125x128xf32, #tpu.memory_space<vmem>> -> memref<1x125x128xf32, #tpu.memory_space<vmem>>
    %dma_start3A_56 = tpu.memref_squeeze %dma_start3A_55 : memref<1x125x128xf32, #tpu.memory_space<vmem>> -> memref<125x128xf32, #tpu.memory_space<vmem>>
    %dma_start3A_57 = arith.constant 0 : i32
    %dma_start3A_58 = tpu.memref_slice %arg3[%arg0, %add3A_39, %select_n3A_7, %dma_start3A_57] : memref<2x2500x8x128xf32, #tpu.memory_space<hbm>> -> memref<1x125x1x128xf32, #tpu.memory_space<hbm>>
    %dma_start3A_59 = tpu.memref_squeeze %dma_start3A_58 : memref<1x125x1x128xf32, #tpu.memory_space<hbm>> -> memref<125x128xf32, #tpu.memory_space<hbm>>
    %dma_start3A_60 = arith.constant 0 : i32
    %dma_start3A_61 = arith.constant 0 : i32
    %dma_start3A_62 = tpu.memref_slice %arg6[%dma_start3A_52, %dma_start3A_60, %dma_start3A_61] : memref<2x125x128xf32, #tpu.memory_space<vmem>> -> memref<1x125x128xf32, #tpu.memory_space<vmem>>
    %dma_start3A_63 = tpu.memref_squeeze %dma_start3A_62 : memref<1x125x128xf32, #tpu.memory_space<vmem>> -> memref<125x128xf32, #tpu.memory_space<vmem>>
    %dma_start3A_64 = arith.constant 0 : i32
    %dma_start3A_65 = tpu.memref_slice %arg3[%arg0, %add3A_39, %select_n3A_7, %dma_start3A_64] : memref<2x2500x8x128xf32, #tpu.memory_space<hbm>> -> memref<1x125x1x128xf32, #tpu.memory_space<hbm>>
    %dma_start3A_66 = tpu.memref_squeeze %dma_start3A_65 : memref<1x125x1x128xf32, #tpu.memory_space<hbm>> -> memref<125x128xf32, #tpu.memory_space<hbm>>
    tpu.enqueue_dma source(%dma_start3A_66 : memref<125x128xf32, #tpu.memory_space<hbm>>) target(%dma_start3A_63 : memref<125x128xf32, #tpu.memory_space<vmem>>) target_semaphore(%arg11 : memref<!tpu.dma_semaphore, #tpu.memory_space<semaphore_mem>>)
    %scan3A = arith.constant 0 : i32
    %scan3A_67 = arith.constant 0 : i32
    %scan3A_68 = arith.constant 5 : i32
    %scan3A_69 = arith.addi %scan3A_67, %scan3A_68 : i32
    %scan3A_70 = arith.constant 1 : i32
    scf.for %scan3A_78 = %scan3A_67 to %scan3A_69 step %scan3A_70  : i32 {
      %mul3A_79 = arith.constant 2 : i32
      %mul3A_80 = arith.muli %scan3A_78, %mul3A_79 : i32
      %add3A_81 = arith.constant 0 : i32
      %add3A_82 = arith.addi %mul3A_80, %add3A_81 : i32
      %dma_wait3A = arith.constant 0 : i32
      %dma_wait3A_83 = arith.constant 0 : i32
      %dma_wait3A_84 = arith.constant 0 : i32
      %dma_wait3A_85 = tpu.memref_slice %arg5[%dma_wait3A, %dma_wait3A_83, %dma_wait3A_84] : memref<2x125x128xi32, #tpu.memory_space<vmem>> -> memref<1x125x128xi32, #tpu.memory_space<vmem>>
      %dma_wait3A_86 = tpu.memref_squeeze %dma_wait3A_85 : memref<1x125x128xi32, #tpu.memory_space<vmem>> -> memref<125x128xi32, #tpu.memory_space<vmem>>
      %dma_wait3A_87 = arith.constant 0 : i32
      %dma_wait3A_88 = arith.constant 0 : i32
      %dma_wait3A_89 = tpu.memref_slice %arg10[%dma_wait3A_87, %dma_wait3A_88] : memref<2500x128xi32, #tpu.memory_space<vmem_shared>> -> memref<125x128xi32, #tpu.memory_space<vmem_shared>>
      %dma_wait3A_90 = arith.constant 0 : i32
      %dma_wait3A_91 = arith.constant 0 : i32
      %dma_wait3A_92 = tpu.memref_slice %arg5[%dma_wait3A, %dma_wait3A_90, %dma_wait3A_91] : memref<2x125x128xi32, #tpu.memory_space<vmem>> -> memref<1x125x128xi32, #tpu.memory_space<vmem>>
      %dma_wait3A_93 = tpu.memref_squeeze %dma_wait3A_92 : memref<1x125x128xi32, #tpu.memory_space<vmem>> -> memref<125x128xi32, #tpu.memory_space<vmem>>
      %dma_wait3A_94 = arith.constant 0 : i32
      %dma_wait3A_95 = arith.constant 0 : i32
      %dma_wait3A_96 = tpu.memref_slice %arg10[%dma_wait3A_94, %dma_wait3A_95] : memref<2500x128xi32, #tpu.memory_space<vmem_shared>> -> memref<125x128xi32, #tpu.memory_space<vmem_shared>>
      tpu.wait_dma2 semaphore(%arg13 : memref<!tpu.dma_semaphore, #tpu.memory_space<semaphore_mem>>) src(%dma_wait3A_96 : memref<125x128xi32, #tpu.memory_space<vmem_shared>>) dst(%dma_wait3A_93 : memref<125x128xi32, #tpu.memory_space<vmem>>)
      %dma_wait3A_97 = arith.constant 0 : i32
      %dma_wait3A_98 = arith.constant 0 : i32
      %dma_wait3A_99 = arith.constant 0 : i32
      %dma_wait3A_100 = arith.constant 0 : i32
      %dma_wait3A_101 = arith.constant 0 : i32
      %dma_wait3A_102 = tpu.memref_slice %arg6[%dma_wait3A_99, %dma_wait3A_100, %dma_wait3A_101] : memref<2x125x128xf32, #tpu.memory_space<vmem>> -> memref<1x125x128xf32, #tpu.memory_space<vmem>>
      %dma_wait3A_103 = tpu.memref_squeeze %dma_wait3A_102 : memref<1x125x128xf32, #tpu.memory_space<vmem>> -> memref<125x128xf32, #tpu.memory_space<vmem>>
      %dma_wait3A_104 = arith.constant 0 : i32
      %dma_wait3A_105 = arith.constant 0 : i32
      %dma_wait3A_106 = tpu.memref_slice %arg3[%dma_wait3A_97, %dma_wait3A_104, %dma_wait3A_98, %dma_wait3A_105] : memref<2x2500x8x128xf32, #tpu.memory_space<hbm>> -> memref<1x125x1x128xf32, #tpu.memory_space<hbm>>
      %dma_wait3A_107 = tpu.memref_squeeze %dma_wait3A_106 : memref<1x125x1x128xf32, #tpu.memory_space<hbm>> -> memref<125x128xf32, #tpu.memory_space<hbm>>
      %dma_wait3A_108 = arith.constant 0 : i32
      %dma_wait3A_109 = arith.constant 0 : i32
      %dma_wait3A_110 = tpu.memref_slice %arg6[%dma_wait3A_99, %dma_wait3A_108, %dma_wait3A_109] : memref<2x125x128xf32, #tpu.memory_space<vmem>> -> memref<1x125x128xf32, #tpu.memory_space<vmem>>
      %dma_wait3A_111 = tpu.memref_squeeze %dma_wait3A_110 : memref<1x125x128xf32, #tpu.memory_space<vmem>> -> memref<125x128xf32, #tpu.memory_space<vmem>>
      %dma_wait3A_112 = arith.constant 0 : i32
      %dma_wait3A_113 = arith.constant 0 : i32
      %dma_wait3A_114 = tpu.memref_slice %arg3[%dma_wait3A_97, %dma_wait3A_112, %dma_wait3A_98, %dma_wait3A_113] : memref<2x2500x8x128xf32, #tpu.memory_space<hbm>> -> memref<1x125x1x128xf32, #tpu.memory_space<hbm>>
      %dma_wait3A_115 = tpu.memref_squeeze %dma_wait3A_114 : memref<1x125x1x128xf32, #tpu.memory_space<hbm>> -> memref<125x128xf32, #tpu.memory_space<hbm>>
      tpu.wait_dma2 semaphore(%arg11 : memref<!tpu.dma_semaphore, #tpu.memory_space<semaphore_mem>>) src(%dma_wait3A_115 : memref<125x128xf32, #tpu.memory_space<hbm>>) dst(%dma_wait3A_111 : memref<125x128xf32, #tpu.memory_space<vmem>>)
      %add3A_116 = arith.constant 1 : i32
      %add3A_117 = arith.addi %add3A_82, %add3A_116 : i32
      %lt3A_118 = arith.constant 10 : i32
      %lt3A_119 = arith.cmpi slt, %add3A_117, %lt3A_118 : i32
      %convert_element_type3A_120 = arith.extui %lt3A_119 : i1 to i32
      %cond3A_121 = arith.constant 0 : i32
      %cond3A_122 = arith.cmpi ne, %convert_element_type3A_120, %cond3A_121 : i32
      scf.if %cond3A_122 {
        %add3A_174 = arith.constant 1 : i32
        %add3A_175 = arith.addi %add3A_82, %add3A_174 : i32
        %mul3A_176 = arith.constant 125 : i32
        %mul3A_177 = arith.muli %add3A_175, %mul3A_176 : i32
        %add3A_178 = arith.addi %mul3A_29, %mul3A_177 : i32
        %dma_start3A_179 = arith.constant 1 : i32
        %dma_start3A_180 = arith.constant 0 : i32
        %dma_start3A_181 = arith.constant 0 : i32
        %dma_start3A_182 = tpu.memref_slice %arg5[%dma_start3A_179, %dma_start3A_180, %dma_start3A_181] : memref<2x125x128xi32, #tpu.memory_space<vmem>> -> memref<1x125x128xi32, #tpu.memory_space<vmem>>
        %dma_start3A_183 = tpu.memref_squeeze %dma_start3A_182 : memref<1x125x128xi32, #tpu.memory_space<vmem>> -> memref<125x128xi32, #tpu.memory_space<vmem>>
        %dma_start3A_184 = arith.constant 0 : i32
        %dma_start3A_185 = tpu.memref_slice %arg10[%add3A_178, %dma_start3A_184] : memref<2500x128xi32, #tpu.memory_space<vmem_shared>> -> memref<125x128xi32, #tpu.memory_space<vmem_shared>>
        %dma_start3A_186 = arith.constant 0 : i32
        %dma_start3A_187 = arith.constant 0 : i32
        %dma_start3A_188 = tpu.memref_slice %arg5[%dma_start3A_179, %dma_start3A_186, %dma_start3A_187] : memref<2x125x128xi32, #tpu.memory_space<vmem>> -> memref<1x125x128xi32, #tpu.memory_space<vmem>>
        %dma_start3A_189 = tpu.memref_squeeze %dma_start3A_188 : memref<1x125x128xi32, #tpu.memory_space<vmem>> -> memref<125x128xi32, #tpu.memory_space<vmem>>
        %dma_start3A_190 = arith.constant 0 : i32
        %dma_start3A_191 = tpu.memref_slice %arg10[%add3A_178, %dma_start3A_190] : memref<2500x128xi32, #tpu.memory_space<vmem_shared>> -> memref<125x128xi32, #tpu.memory_space<vmem_shared>>
        tpu.enqueue_dma source(%dma_start3A_191 : memref<125x128xi32, #tpu.memory_space<vmem_shared>>) target(%dma_start3A_189 : memref<125x128xi32, #tpu.memory_space<vmem>>) target_semaphore(%arg14 : memref<!tpu.dma_semaphore, #tpu.memory_space<semaphore_mem>>)
        %dma_start3A_192 = arith.constant 1 : i32
        %dma_start3A_193 = arith.constant 0 : i32
        %dma_start3A_194 = arith.constant 0 : i32
        %dma_start3A_195 = tpu.memref_slice %arg6[%dma_start3A_192, %dma_start3A_193, %dma_start3A_194] : memref<2x125x128xf32, #tpu.memory_space<vmem>> -> memref<1x125x128xf32, #tpu.memory_space<vmem>>
        %dma_start3A_196 = tpu.memref_squeeze %dma_start3A_195 : memref<1x125x128xf32, #tpu.memory_space<vmem>> -> memref<125x128xf32, #tpu.memory_space<vmem>>
        %dma_start3A_197 = arith.constant 0 : i32
        %dma_start3A_198 = tpu.memref_slice %arg3[%arg0, %add3A_178, %select_n3A_7, %dma_start3A_197] : memref<2x2500x8x128xf32, #tpu.memory_space<hbm>> -> memref<1x125x1x128xf32, #tpu.memory_space<hbm>>
        %dma_start3A_199 = tpu.memref_squeeze %dma_start3A_198 : memref<1x125x1x128xf32, #tpu.memory_space<hbm>> -> memref<125x128xf32, #tpu.memory_space<hbm>>
        %dma_start3A_200 = arith.constant 0 : i32
        %dma_start3A_201 = arith.constant 0 : i32
        %dma_start3A_202 = tpu.memref_slice %arg6[%dma_start3A_192, %dma_start3A_200, %dma_start3A_201] : memref<2x125x128xf32, #tpu.memory_space<vmem>> -> memref<1x125x128xf32, #tpu.memory_space<vmem>>
        %dma_start3A_203 = tpu.memref_squeeze %dma_start3A_202 : memref<1x125x128xf32, #tpu.memory_space<vmem>> -> memref<125x128xf32, #tpu.memory_space<vmem>>
        %dma_start3A_204 = arith.constant 0 : i32
        %dma_start3A_205 = tpu.memref_slice %arg3[%arg0, %add3A_178, %select_n3A_7, %dma_start3A_204] : memref<2x2500x8x128xf32, #tpu.memory_space<hbm>> -> memref<1x125x1x128xf32, #tpu.memory_space<hbm>>
        %dma_start3A_206 = tpu.memref_squeeze %dma_start3A_205 : memref<1x125x1x128xf32, #tpu.memory_space<hbm>> -> memref<125x128xf32, #tpu.memory_space<hbm>>
        tpu.enqueue_dma source(%dma_start3A_206 : memref<125x128xf32, #tpu.memory_space<hbm>>) target(%dma_start3A_203 : memref<125x128xf32, #tpu.memory_space<vmem>>) target_semaphore(%arg12 : memref<!tpu.dma_semaphore, #tpu.memory_space<semaphore_mem>>)
      } else {
      }
      %parallel_loop3A_123 = arith.constant 0 : i32
      %parallel_loop3A_124 = arith.constant 125 : i32
      %parallel_loop3A_125 = arith.constant 1 : i32
      scf.for %parallel_loop3A_174 = %parallel_loop3A_123 to %parallel_loop3A_124 step %parallel_loop3A_125  : i32 {
        %parallel_loop3A_175 = arith.constant 0 : i32
        %parallel_loop3A_176 = arith.index_cast %parallel_loop3A_175 : i32 to index
        %parallel_loop3A_177 = arith.index_cast %parallel_loop3A_174 : i32 to index
        %parallel_loop3A_178 = arith.constant 0 : index
        %parallel_loop3A_179 = tpu.vector_load %arg5[%parallel_loop3A_176, %parallel_loop3A_177, %parallel_loop3A_178] {strides = array<i32>} : memref<2x125x128xi32, #tpu.memory_space<vmem>>, vector<16xi32>,
        %parallel_loop3A_180 = arith.constant 0 : i32
        %parallel_loop3A_181 = arith.index_cast %parallel_loop3A_180 : i32 to index
        %parallel_loop3A_182 = arith.index_cast %parallel_loop3A_174 : i32 to index
        %parallel_loop3A_183 = arith.constant 0 : index
        %parallel_loop3A_184 = tpu.vector_load %arg6[%parallel_loop3A_181, %parallel_loop3A_182, %parallel_loop3A_183] {strides = array<i32>} : memref<2x125x128xf32, #tpu.memory_space<vmem>>, vector<16xf32>,
        tpu.vector_store_idx %arg7[%parallel_loop3A_179], %parallel_loop3A_184 {add = true} : memref<10240xf32, #tpu.memory_space<vmem>>[vector<16xi32>], vector<16xf32>,
        %parallel_loop3A_185 = arith.constant 0 : i32
        %parallel_loop3A_186 = arith.index_cast %parallel_loop3A_185 : i32 to index
        %parallel_loop3A_187 = arith.index_cast %parallel_loop3A_174 : i32 to index
        %parallel_loop3A_188 = arith.constant 16 : index
        %parallel_loop3A_189 = tpu.vector_load %arg5[%parallel_loop3A_186, %parallel_loop3A_187, %parallel_loop3A_188] {strides = array<i32>} : memref<2x125x128xi32, #tpu.memory_space<vmem>>, vector<16xi32>,
        %parallel_loop3A_190 = arith.constant 0 : i32
        %parallel_loop3A_191 = arith.index_cast %parallel_loop3A_190 : i32 to index
        %parallel_loop3A_192 = arith.index_cast %parallel_loop3A_174 : i32 to index
        %parallel_loop3A_193 = arith.constant 16 : index
        %parallel_loop3A_194 = tpu.vector_load %arg6[%parallel_loop3A_191, %parallel_loop3A_192, %parallel_loop3A_193] {strides = array<i32>} : memref<2x125x128xf32, #tpu.memory_space<vmem>>, vector<16xf32>,
        tpu.vector_store_idx %arg7[%parallel_loop3A_189], %parallel_loop3A_194 {add = true} : memref<10240xf32, #tpu.memory_space<vmem>>[vector<16xi32>], vector<16xf32>,
        %parallel_loop3A_195 = arith.constant 0 : i32
        %parallel_loop3A_196 = arith.index_cast %parallel_loop3A_195 : i32 to index
        %parallel_loop3A_197 = arith.index_cast %parallel_loop3A_174 : i32 to index
        %parallel_loop3A_198 = arith.constant 32 : index
        %parallel_loop3A_199 = tpu.vector_load %arg5[%parallel_loop3A_196, %parallel_loop3A_197, %parallel_loop3A_198] {strides = array<i32>} : memref<2x125x128xi32, #tpu.memory_space<vmem>>, vector<16xi32>,
        %parallel_loop3A_200 = arith.constant 0 : i32
        %parallel_loop3A_201 = arith.index_cast %parallel_loop3A_200 : i32 to index
        %parallel_loop3A_202 = arith.index_cast %parallel_loop3A_174 : i32 to index
        %parallel_loop3A_203 = arith.constant 32 : index
        %parallel_loop3A_204 = tpu.vector_load %arg6[%parallel_loop3A_201, %parallel_loop3A_202, %parallel_loop3A_203] {strides = array<i32>} : memref<2x125x128xf32, #tpu.memory_space<vmem>>, vector<16xf32>,
        tpu.vector_store_idx %arg7[%parallel_loop3A_199], %parallel_loop3A_204 {add = true} : memref<10240xf32, #tpu.memory_space<vmem>>[vector<16xi32>], vector<16xf32>,
        %parallel_loop3A_205 = arith.constant 0 : i32
        %parallel_loop3A_206 = arith.index_cast %parallel_loop3A_205 : i32 to index
        %parallel_loop3A_207 = arith.index_cast %parallel_loop3A_174 : i32 to index
        %parallel_loop3A_208 = arith.constant 48 : index
        %parallel_loop3A_209 = tpu.vector_load %arg5[%parallel_loop3A_206, %parallel_loop3A_207, %parallel_loop3A_208] {strides = array<i32>} : memref<2x125x128xi32, #tpu.memory_space<vmem>>, vector<16xi32>,
        %parallel_loop3A_210 = arith.constant 0 : i32
        %parallel_loop3A_211 = arith.index_cast %parallel_loop3A_210 : i32 to index
        %parallel_loop3A_212 = arith.index_cast %parallel_loop3A_174 : i32 to index
        %parallel_loop3A_213 = arith.constant 48 : index
        %parallel_loop3A_214 = tpu.vector_load %arg6[%parallel_loop3A_211, %parallel_loop3A_212, %parallel_loop3A_213] {strides = array<i32>} : memref<2x125x128xf32, #tpu.memory_space<vmem>>, vector<16xf32>,
        tpu.vector_store_idx %arg7[%parallel_loop3A_209], %parallel_loop3A_214 {add = true} : memref<10240xf32, #tpu.memory_space<vmem>>[vector<16xi32>], vector<16xf32>,
        %parallel_loop3A_215 = arith.constant 0 : i32
        %parallel_loop3A_216 = arith.index_cast %parallel_loop3A_215 : i32 to index
        %parallel_loop3A_217 = arith.index_cast %parallel_loop3A_174 : i32 to index
        %parallel_loop3A_218 = arith.constant 64 : index
        %parallel_loop3A_219 = tpu.vector_load %arg5[%parallel_loop3A_216, %parallel_loop3A_217, %parallel_loop3A_218] {strides = array<i32>} : memref<2x125x128xi32, #tpu.memory_space<vmem>>, vector<16xi32>,
        %parallel_loop3A_220 = arith.constant 0 : i32
        %parallel_loop3A_221 = arith.index_cast %parallel_loop3A_220 : i32 to index
        %parallel_loop3A_222 = arith.index_cast %parallel_loop3A_174 : i32 to index
        %parallel_loop3A_223 = arith.constant 64 : index
        %parallel_loop3A_224 = tpu.vector_load %arg6[%parallel_loop3A_221, %parallel_loop3A_222, %parallel_loop3A_223] {strides = array<i32>} : memref<2x125x128xf32, #tpu.memory_space<vmem>>, vector<16xf32>,
        tpu.vector_store_idx %arg7[%parallel_loop3A_219], %parallel_loop3A_224 {add = true} : memref<10240xf32, #tpu.memory_space<vmem>>[vector<16xi32>], vector<16xf32>,
        %parallel_loop3A_225 = arith.constant 0 : i32
        %parallel_loop3A_226 = arith.index_cast %parallel_loop3A_225 : i32 to index
        %parallel_loop3A_227 = arith.index_cast %parallel_loop3A_174 : i32 to index
        %parallel_loop3A_228 = arith.constant 80 : index
        %parallel_loop3A_229 = tpu.vector_load %arg5[%parallel_loop3A_226, %parallel_loop3A_227, %parallel_loop3A_228] {strides = array<i32>} : memref<2x125x128xi32, #tpu.memory_space<vmem>>, vector<16xi32>,
        %parallel_loop3A_230 = arith.constant 0 : i32
        %parallel_loop3A_231 = arith.index_cast %parallel_loop3A_230 : i32 to index
        %parallel_loop3A_232 = arith.index_cast %parallel_loop3A_174 : i32 to index
        %parallel_loop3A_233 = arith.constant 80 : index
        %parallel_loop3A_234 = tpu.vector_load %arg6[%parallel_loop3A_231, %parallel_loop3A_232, %parallel_loop3A_233] {strides = array<i32>} : memref<2x125x128xf32, #tpu.memory_space<vmem>>, vector<16xf32>,
        tpu.vector_store_idx %arg7[%parallel_loop3A_229], %parallel_loop3A_234 {add = true} : memref<10240xf32, #tpu.memory_space<vmem>>[vector<16xi32>], vector<16xf32>,
        %parallel_loop3A_235 = arith.constant 0 : i32
        %parallel_loop3A_236 = arith.index_cast %parallel_loop3A_235 : i32 to index
        %parallel_loop3A_237 = arith.index_cast %parallel_loop3A_174 : i32 to index
        %parallel_loop3A_238 = arith.constant 96 : index
        %parallel_loop3A_239 = tpu.vector_load %arg5[%parallel_loop3A_236, %parallel_loop3A_237, %parallel_loop3A_238] {strides = array<i32>} : memref<2x125x128xi32, #tpu.memory_space<vmem>>, vector<16xi32>,
        %parallel_loop3A_240 = arith.constant 0 : i32
        %parallel_loop3A_241 = arith.index_cast %parallel_loop3A_240 : i32 to index
        %parallel_loop3A_242 = arith.index_cast %parallel_loop3A_174 : i32 to index
        %parallel_loop3A_243 = arith.constant 96 : index
        %parallel_loop3A_244 = tpu.vector_load %arg6[%parallel_loop3A_241, %parallel_loop3A_242, %parallel_loop3A_243] {strides = array<i32>} : memref<2x125x128xf32, #tpu.memory_space<vmem>>, vector<16xf32>,
        tpu.vector_store_idx %arg7[%parallel_loop3A_239], %parallel_loop3A_244 {add = true} : memref<10240xf32, #tpu.memory_space<vmem>>[vector<16xi32>], vector<16xf32>,
        %parallel_loop3A_245 = arith.constant 0 : i32
        %parallel_loop3A_246 = arith.index_cast %parallel_loop3A_245 : i32 to index
        %parallel_loop3A_247 = arith.index_cast %parallel_loop3A_174 : i32 to index
        %parallel_loop3A_248 = arith.constant 112 : index
        %parallel_loop3A_249 = tpu.vector_load %arg5[%parallel_loop3A_246, %parallel_loop3A_247, %parallel_loop3A_248] {strides = array<i32>} : memref<2x125x128xi32, #tpu.memory_space<vmem>>, vector<16xi32>,
        %parallel_loop3A_250 = arith.constant 0 : i32
        %parallel_loop3A_251 = arith.index_cast %parallel_loop3A_250 : i32 to index
        %parallel_loop3A_252 = arith.index_cast %parallel_loop3A_174 : i32 to index
        %parallel_loop3A_253 = arith.constant 112 : index
        %parallel_loop3A_254 = tpu.vector_load %arg6[%parallel_loop3A_251, %parallel_loop3A_252, %parallel_loop3A_253] {strides = array<i32>} : memref<2x125x128xf32, #tpu.memory_space<vmem>>, vector<16xf32>,
        tpu.vector_store_idx %arg7[%parallel_loop3A_249], %parallel_loop3A_254 {add = true} : memref<10240xf32, #tpu.memory_space<vmem>>[vector<16xi32>], vector<16xf32>,
      } {sc.loop_unroll_factor = 5 : i64, sc.parallel_access}
      %mul3A_126 = arith.constant 2 : i32
      %mul3A_127 = arith.muli %scan3A_78, %mul3A_126 : i32
      %add3A_128 = arith.constant 1 : i32
      %add3A_129 = arith.addi %mul3A_127, %add3A_128 : i32
      %dma_wait3A_130 = arith.constant 1 : i32
      %dma_wait3A_131 = arith.constant 0 : i32
      %dma_wait3A_132 = arith.constant 0 : i32
      %dma_wait3A_133 = tpu.memref_slice %arg5[%dma_wait3A_130, %dma_wait3A_131, %dma_wait3A_132] : memref<2x125x128xi32, #tpu.memory_space<vmem>> -> memref<1x125x128xi32, #tpu.memory_space<vmem>>
      %dma_wait3A_134 = tpu.memref_squeeze %dma_wait3A_133 : memref<1x125x128xi32, #tpu.memory_space<vmem>> -> memref<125x128xi32, #tpu.memory_space<vmem>>
      %dma_wait3A_135 = arith.constant 0 : i32
      %dma_wait3A_136 = arith.constant 0 : i32
      %dma_wait3A_137 = tpu.memref_slice %arg10[%dma_wait3A_135, %dma_wait3A_136] : memref<2500x128xi32, #tpu.memory_space<vmem_shared>> -> memref<125x128xi32, #tpu.memory_space<vmem_shared>>
      %dma_wait3A_138 = arith.constant 0 : i32
      %dma_wait3A_139 = arith.constant 0 : i32
      %dma_wait3A_140 = tpu.memref_slice %arg5[%dma_wait3A_130, %dma_wait3A_138, %dma_wait3A_139] : memref<2x125x128xi32, #tpu.memory_space<vmem>> -> memref<1x125x128xi32, #tpu.memory_space<vmem>>
      %dma_wait3A_141 = tpu.memref_squeeze %dma_wait3A_140 : memref<1x125x128xi32, #tpu.memory_space<vmem>> -> memref<125x128xi32, #tpu.memory_space<vmem>>
      %dma_wait3A_142 = arith.constant 0 : i32
      %dma_wait3A_143 = arith.constant 0 : i32
      %dma_wait3A_144 = tpu.memref_slice %arg10[%dma_wait3A_142, %dma_wait3A_143] : memref<2500x128xi32, #tpu.memory_space<vmem_shared>> -> memref<125x128xi32, #tpu.memory_space<vmem_shared>>
      tpu.wait_dma2 semaphore(%arg14 : memref<!tpu.dma_semaphore, #tpu.memory_space<semaphore_mem>>) src(%dma_wait3A_144 : memref<125x128xi32, #tpu.memory_space<vmem_shared>>) dst(%dma_wait3A_141 : memref<125x128xi32, #tpu.memory_space<vmem>>)
      %dma_wait3A_145 = arith.constant 0 : i32
      %dma_wait3A_146 = arith.constant 0 : i32
      %dma_wait3A_147 = arith.constant 1 : i32
      %dma_wait3A_148 = arith.constant 0 : i32
      %dma_wait3A_149 = arith.constant 0 : i32
      %dma_wait3A_150 = tpu.memref_slice %arg6[%dma_wait3A_147, %dma_wait3A_148, %dma_wait3A_149] : memref<2x125x128xf32, #tpu.memory_space<vmem>> -> memref<1x125x128xf32, #tpu.memory_space<vmem>>
      %dma_wait3A_151 = tpu.memref_squeeze %dma_wait3A_150 : memref<1x125x128xf32, #tpu.memory_space<vmem>> -> memref<125x128xf32, #tpu.memory_space<vmem>>
      %dma_wait3A_152 = arith.constant 0 : i32
      %dma_wait3A_153 = arith.constant 0 : i32
      %dma_wait3A_154 = tpu.memref_slice %arg3[%dma_wait3A_145, %dma_wait3A_152, %dma_wait3A_146, %dma_wait3A_153] : memref<2x2500x8x128xf32, #tpu.memory_space<hbm>> -> memref<1x125x1x128xf32, #tpu.memory_space<hbm>>
      %dma_wait3A_155 = tpu.memref_squeeze %dma_wait3A_154 : memref<1x125x1x128xf32, #tpu.memory_space<hbm>> -> memref<125x128xf32, #tpu.memory_space<hbm>>
      %dma_wait3A_156 = arith.constant 0 : i32
      %dma_wait3A_157 = arith.constant 0 : i32
      %dma_wait3A_158 = tpu.memref_slice %arg6[%dma_wait3A_147, %dma_wait3A_156, %dma_wait3A_157] : memref<2x125x128xf32, #tpu.memory_space<vmem>> -> memref<1x125x128xf32, #tpu.memory_space<vmem>>
      %dma_wait3A_159 = tpu.memref_squeeze %dma_wait3A_158 : memref<1x125x128xf32, #tpu.memory_space<vmem>> -> memref<125x128xf32, #tpu.memory_space<vmem>>
      %dma_wait3A_160 = arith.constant 0 : i32
      %dma_wait3A_161 = arith.constant 0 : i32
      %dma_wait3A_162 = tpu.memref_slice %arg3[%dma_wait3A_145, %dma_wait3A_160, %dma_wait3A_146, %dma_wait3A_161] : memref<2x2500x8x128xf32, #tpu.memory_space<hbm>> -> memref<1x125x1x128xf32, #tpu.memory_space<hbm>>
      %dma_wait3A_163 = tpu.memref_squeeze %dma_wait3A_162 : memref<1x125x1x128xf32, #tpu.memory_space<hbm>> -> memref<125x128xf32, #tpu.memory_space<hbm>>
      tpu.wait_dma2 semaphore(%arg12 : memref<!tpu.dma_semaphore, #tpu.memory_space<semaphore_mem>>) src(%dma_wait3A_163 : memref<125x128xf32, #tpu.memory_space<hbm>>) dst(%dma_wait3A_159 : memref<125x128xf32, #tpu.memory_space<vmem>>)
      %add3A_164 = arith.constant 1 : i32
      %add3A_165 = arith.addi %add3A_129, %add3A_164 : i32
      %lt3A_166 = arith.constant 10 : i32
      %lt3A_167 = arith.cmpi slt, %add3A_165, %lt3A_166 : i32
      %convert_element_type3A_168 = arith.extui %lt3A_167 : i1 to i32
      %cond3A_169 = arith.constant 0 : i32
      %cond3A_170 = arith.cmpi ne, %convert_element_type3A_168, %cond3A_169 : i32
      scf.if %cond3A_170 {
        %add3A_174 = arith.constant 1 : i32
        %add3A_175 = arith.addi %add3A_129, %add3A_174 : i32
        %mul3A_176 = arith.constant 125 : i32
        %mul3A_177 = arith.muli %add3A_175, %mul3A_176 : i32
        %add3A_178 = arith.addi %mul3A_29, %mul3A_177 : i32
        %dma_start3A_179 = arith.constant 0 : i32
        %dma_start3A_180 = arith.constant 0 : i32
        %dma_start3A_181 = arith.constant 0 : i32
        %dma_start3A_182 = tpu.memref_slice %arg5[%dma_start3A_179, %dma_start3A_180, %dma_start3A_181] : memref<2x125x128xi32, #tpu.memory_space<vmem>> -> memref<1x125x128xi32, #tpu.memory_space<vmem>>
        %dma_start3A_183 = tpu.memref_squeeze %dma_start3A_182 : memref<1x125x128xi32, #tpu.memory_space<vmem>> -> memref<125x128xi32, #tpu.memory_space<vmem>>
        %dma_start3A_184 = arith.constant 0 : i32
        %dma_start3A_185 = tpu.memref_slice %arg10[%add3A_178, %dma_start3A_184] : memref<2500x128xi32, #tpu.memory_space<vmem_shared>> -> memref<125x128xi32, #tpu.memory_space<vmem_shared>>
        %dma_start3A_186 = arith.constant 0 : i32
        %dma_start3A_187 = arith.constant 0 : i32
        %dma_start3A_188 = tpu.memref_slice %arg5[%dma_start3A_179, %dma_start3A_186, %dma_start3A_187] : memref<2x125x128xi32, #tpu.memory_space<vmem>> -> memref<1x125x128xi32, #tpu.memory_space<vmem>>
        %dma_start3A_189 = tpu.memref_squeeze %dma_start3A_188 : memref<1x125x128xi32, #tpu.memory_space<vmem>> -> memref<125x128xi32, #tpu.memory_space<vmem>>
        %dma_start3A_190 = arith.constant 0 : i32
        %dma_start3A_191 = tpu.memref_slice %arg10[%add3A_178, %dma_start3A_190] : memref<2500x128xi32, #tpu.memory_space<vmem_shared>> -> memref<125x128xi32, #tpu.memory_space<vmem_shared>>
        tpu.enqueue_dma source(%dma_start3A_191 : memref<125x128xi32, #tpu.memory_space<vmem_shared>>) target(%dma_start3A_189 : memref<125x128xi32, #tpu.memory_space<vmem>>) target_semaphore(%arg13 : memref<!tpu.dma_semaphore, #tpu.memory_space<semaphore_mem>>)
        %dma_start3A_192 = arith.constant 0 : i32
        %dma_start3A_193 = arith.constant 0 : i32
        %dma_start3A_194 = arith.constant 0 : i32
        %dma_start3A_195 = tpu.memref_slice %arg6[%dma_start3A_192, %dma_start3A_193, %dma_start3A_194] : memref<2x125x128xf32, #tpu.memory_space<vmem>> -> memref<1x125x128xf32, #tpu.memory_space<vmem>>
        %dma_start3A_196 = tpu.memref_squeeze %dma_start3A_195 : memref<1x125x128xf32, #tpu.memory_space<vmem>> -> memref<125x128xf32, #tpu.memory_space<vmem>>
        %dma_start3A_197 = arith.constant 0 : i32
        %dma_start3A_198 = tpu.memref_slice %arg3[%arg0, %add3A_178, %select_n3A_7, %dma_start3A_197] : memref<2x2500x8x128xf32, #tpu.memory_space<hbm>> -> memref<1x125x1x128xf32, #tpu.memory_space<hbm>>
        %dma_start3A_199 = tpu.memref_squeeze %dma_start3A_198 : memref<1x125x1x128xf32, #tpu.memory_space<hbm>> -> memref<125x128xf32, #tpu.memory_space<hbm>>
        %dma_start3A_200 = arith.constant 0 : i32
        %dma_start3A_201 = arith.constant 0 : i32
        %dma_start3A_202 = tpu.memref_slice %arg6[%dma_start3A_192, %dma_start3A_200, %dma_start3A_201] : memref<2x125x128xf32, #tpu.memory_space<vmem>> -> memref<1x125x128xf32, #tpu.memory_space<vmem>>
        %dma_start3A_203 = tpu.memref_squeeze %dma_start3A_202 : memref<1x125x128xf32, #tpu.memory_space<vmem>> -> memref<125x128xf32, #tpu.memory_space<vmem>>
        %dma_start3A_204 = arith.constant 0 : i32
        %dma_start3A_205 = tpu.memref_slice %arg3[%arg0, %add3A_178, %select_n3A_7, %dma_start3A_204] : memref<2x2500x8x128xf32, #tpu.memory_space<hbm>> -> memref<1x125x1x128xf32, #tpu.memory_space<hbm>>
        %dma_start3A_206 = tpu.memref_squeeze %dma_start3A_205 : memref<1x125x1x128xf32, #tpu.memory_space<hbm>> -> memref<125x128xf32, #tpu.memory_space<hbm>>
        tpu.enqueue_dma source(%dma_start3A_206 : memref<125x128xf32, #tpu.memory_space<hbm>>) target(%dma_start3A_203 : memref<125x128xf32, #tpu.memory_space<vmem>>) target_semaphore(%arg11 : memref<!tpu.dma_semaphore, #tpu.memory_space<semaphore_mem>>)
      } else {
      }
      %parallel_loop3A_171 = arith.constant 0 : i32
      %parallel_loop3A_172 = arith.constant 125 : i32
      %parallel_loop3A_173 = arith.constant 1 : i32
      scf.for %parallel_loop3A_174 = %parallel_loop3A_171 to %parallel_loop3A_172 step %parallel_loop3A_173  : i32 {
        %parallel_loop3A_175 = arith.constant 1 : i32
        %parallel_loop3A_176 = arith.index_cast %parallel_loop3A_175 : i32 to index
        %parallel_loop3A_177 = arith.index_cast %parallel_loop3A_174 : i32 to index
        %parallel_loop3A_178 = arith.constant 0 : index
        %parallel_loop3A_179 = tpu.vector_load %arg5[%parallel_loop3A_176, %parallel_loop3A_177, %parallel_loop3A_178] {strides = array<i32>} : memref<2x125x128xi32, #tpu.memory_space<vmem>>, vector<16xi32>,
        %parallel_loop3A_180 = arith.constant 1 : i32
        %parallel_loop3A_181 = arith.index_cast %parallel_loop3A_180 : i32 to index
        %parallel_loop3A_182 = arith.index_cast %parallel_loop3A_174 : i32 to index
        %parallel_loop3A_183 = arith.constant 0 : index
        %parallel_loop3A_184 = tpu.vector_load %arg6[%parallel_loop3A_181, %parallel_loop3A_182, %parallel_loop3A_183] {strides = array<i32>} : memref<2x125x128xf32, #tpu.memory_space<vmem>>, vector<16xf32>,
        tpu.vector_store_idx %arg7[%parallel_loop3A_179], %parallel_loop3A_184 {add = true} : memref<10240xf32, #tpu.memory_space<vmem>>[vector<16xi32>], vector<16xf32>,
        %parallel_loop3A_185 = arith.constant 1 : i32
        %parallel_loop3A_186 = arith.index_cast %parallel_loop3A_185 : i32 to index
        %parallel_loop3A_187 = arith.index_cast %parallel_loop3A_174 : i32 to index
        %parallel_loop3A_188 = arith.constant 16 : index
        %parallel_loop3A_189 = tpu.vector_load %arg5[%parallel_loop3A_186, %parallel_loop3A_187, %parallel_loop3A_188] {strides = array<i32>} : memref<2x125x128xi32, #tpu.memory_space<vmem>>, vector<16xi32>,
        %parallel_loop3A_190 = arith.constant 1 : i32
        %parallel_loop3A_191 = arith.index_cast %parallel_loop3A_190 : i32 to index
        %parallel_loop3A_192 = arith.index_cast %parallel_loop3A_174 : i32 to index
        %parallel_loop3A_193 = arith.constant 16 : index
        %parallel_loop3A_194 = tpu.vector_load %arg6[%parallel_loop3A_191, %parallel_loop3A_192, %parallel_loop3A_193] {strides = array<i32>} : memref<2x125x128xf32, #tpu.memory_space<vmem>>, vector<16xf32>,
        tpu.vector_store_idx %arg7[%parallel_loop3A_189], %parallel_loop3A_194 {add = true} : memref<10240xf32, #tpu.memory_space<vmem>>[vector<16xi32>], vector<16xf32>,
        %parallel_loop3A_195 = arith.constant 1 : i32
        %parallel_loop3A_196 = arith.index_cast %parallel_loop3A_195 : i32 to index
        %parallel_loop3A_197 = arith.index_cast %parallel_loop3A_174 : i32 to index
        %parallel_loop3A_198 = arith.constant 32 : index
        %parallel_loop3A_199 = tpu.vector_load %arg5[%parallel_loop3A_196, %parallel_loop3A_197, %parallel_loop3A_198] {strides = array<i32>} : memref<2x125x128xi32, #tpu.memory_space<vmem>>, vector<16xi32>,
        %parallel_loop3A_200 = arith.constant 1 : i32
        %parallel_loop3A_201 = arith.index_cast %parallel_loop3A_200 : i32 to index
        %parallel_loop3A_202 = arith.index_cast %parallel_loop3A_174 : i32 to index
        %parallel_loop3A_203 = arith.constant 32 : index
        %parallel_loop3A_204 = tpu.vector_load %arg6[%parallel_loop3A_201, %parallel_loop3A_202, %parallel_loop3A_203] {strides = array<i32>} : memref<2x125x128xf32, #tpu.memory_space<vmem>>, vector<16xf32>,
        tpu.vector_store_idx %arg7[%parallel_loop3A_199], %parallel_loop3A_204 {add = true} : memref<10240xf32, #tpu.memory_space<vmem>>[vector<16xi32>], vector<16xf32>,
        %parallel_loop3A_205 = arith.constant 1 : i32
        %parallel_loop3A_206 = arith.index_cast %parallel_loop3A_205 : i32 to index
        %parallel_loop3A_207 = arith.index_cast %parallel_loop3A_174 : i32 to index
        %parallel_loop3A_208 = arith.constant 48 : index
        %parallel_loop3A_209 = tpu.vector_load %arg5[%parallel_loop3A_206, %parallel_loop3A_207, %parallel_loop3A_208] {strides = array<i32>} : memref<2x125x128xi32, #tpu.memory_space<vmem>>, vector<16xi32>,
        %parallel_loop3A_210 = arith.constant 1 : i32
        %parallel_loop3A_211 = arith.index_cast %parallel_loop3A_210 : i32 to index
        %parallel_loop3A_212 = arith.index_cast %parallel_loop3A_174 : i32 to index
        %parallel_loop3A_213 = arith.constant 48 : index
        %parallel_loop3A_214 = tpu.vector_load %arg6[%parallel_loop3A_211, %parallel_loop3A_212, %parallel_loop3A_213] {strides = array<i32>} : memref<2x125x128xf32, #tpu.memory_space<vmem>>, vector<16xf32>,
        tpu.vector_store_idx %arg7[%parallel_loop3A_209], %parallel_loop3A_214 {add = true} : memref<10240xf32, #tpu.memory_space<vmem>>[vector<16xi32>], vector<16xf32>,
        %parallel_loop3A_215 = arith.constant 1 : i32
        %parallel_loop3A_216 = arith.index_cast %parallel_loop3A_215 : i32 to index
        %parallel_loop3A_217 = arith.index_cast %parallel_loop3A_174 : i32 to index
        %parallel_loop3A_218 = arith.constant 64 : index
        %parallel_loop3A_219 = tpu.vector_load %arg5[%parallel_loop3A_216, %parallel_loop3A_217, %parallel_loop3A_218] {strides = array<i32>} : memref<2x125x128xi32, #tpu.memory_space<vmem>>, vector<16xi32>,
        %parallel_loop3A_220 = arith.constant 1 : i32
        %parallel_loop3A_221 = arith.index_cast %parallel_loop3A_220 : i32 to index
        %parallel_loop3A_222 = arith.index_cast %parallel_loop3A_174 : i32 to index
        %parallel_loop3A_223 = arith.constant 64 : index
        %parallel_loop3A_224 = tpu.vector_load %arg6[%parallel_loop3A_221, %parallel_loop3A_222, %parallel_loop3A_223] {strides = array<i32>} : memref<2x125x128xf32, #tpu.memory_space<vmem>>, vector<16xf32>,
        tpu.vector_store_idx %arg7[%parallel_loop3A_219], %parallel_loop3A_224 {add = true} : memref<10240xf32, #tpu.memory_space<vmem>>[vector<16xi32>], vector<16xf32>,
        %parallel_loop3A_225 = arith.constant 1 : i32
        %parallel_loop3A_226 = arith.index_cast %parallel_loop3A_225 : i32 to index
        %parallel_loop3A_227 = arith.index_cast %parallel_loop3A_174 : i32 to index
        %parallel_loop3A_228 = arith.constant 80 : index
        %parallel_loop3A_229 = tpu.vector_load %arg5[%parallel_loop3A_226, %parallel_loop3A_227, %parallel_loop3A_228] {strides = array<i32>} : memref<2x125x128xi32, #tpu.memory_space<vmem>>, vector<16xi32>,
        %parallel_loop3A_230 = arith.constant 1 : i32
        %parallel_loop3A_231 = arith.index_cast %parallel_loop3A_230 : i32 to index
        %parallel_loop3A_232 = arith.index_cast %parallel_loop3A_174 : i32 to index
        %parallel_loop3A_233 = arith.constant 80 : index
        %parallel_loop3A_234 = tpu.vector_load %arg6[%parallel_loop3A_231, %parallel_loop3A_232, %parallel_loop3A_233] {strides = array<i32>} : memref<2x125x128xf32, #tpu.memory_space<vmem>>, vector<16xf32>,
        tpu.vector_store_idx %arg7[%parallel_loop3A_229], %parallel_loop3A_234 {add = true} : memref<10240xf32, #tpu.memory_space<vmem>>[vector<16xi32>], vector<16xf32>,
        %parallel_loop3A_235 = arith.constant 1 : i32
        %parallel_loop3A_236 = arith.index_cast %parallel_loop3A_235 : i32 to index
        %parallel_loop3A_237 = arith.index_cast %parallel_loop3A_174 : i32 to index
        %parallel_loop3A_238 = arith.constant 96 : index
        %parallel_loop3A_239 = tpu.vector_load %arg5[%parallel_loop3A_236, %parallel_loop3A_237, %parallel_loop3A_238] {strides = array<i32>} : memref<2x125x128xi32, #tpu.memory_space<vmem>>, vector<16xi32>,
        %parallel_loop3A_240 = arith.constant 1 : i32
        %parallel_loop3A_241 = arith.index_cast %parallel_loop3A_240 : i32 to index
        %parallel_loop3A_242 = arith.index_cast %parallel_loop3A_174 : i32 to index
        %parallel_loop3A_243 = arith.constant 96 : index
        %parallel_loop3A_244 = tpu.vector_load %arg6[%parallel_loop3A_241, %parallel_loop3A_242, %parallel_loop3A_243] {strides = array<i32>} : memref<2x125x128xf32, #tpu.memory_space<vmem>>, vector<16xf32>,
        tpu.vector_store_idx %arg7[%parallel_loop3A_239], %parallel_loop3A_244 {add = true} : memref<10240xf32, #tpu.memory_space<vmem>>[vector<16xi32>], vector<16xf32>,
        %parallel_loop3A_245 = arith.constant 1 : i32
        %parallel_loop3A_246 = arith.index_cast %parallel_loop3A_245 : i32 to index
        %parallel_loop3A_247 = arith.index_cast %parallel_loop3A_174 : i32 to index
        %parallel_loop3A_248 = arith.constant 112 : index
        %parallel_loop3A_249 = tpu.vector_load %arg5[%parallel_loop3A_246, %parallel_loop3A_247, %parallel_loop3A_248] {strides = array<i32>} : memref<2x125x128xi32, #tpu.memory_space<vmem>>, vector<16xi32>,
        %parallel_loop3A_250 = arith.constant 1 : i32
        %parallel_loop3A_251 = arith.index_cast %parallel_loop3A_250 : i32 to index
        %parallel_loop3A_252 = arith.index_cast %parallel_loop3A_174 : i32 to index
        %parallel_loop3A_253 = arith.constant 112 : index
        %parallel_loop3A_254 = tpu.vector_load %arg6[%parallel_loop3A_251, %parallel_loop3A_252, %parallel_loop3A_253] {strides = array<i32>} : memref<2x125x128xf32, #tpu.memory_space<vmem>>, vector<16xf32>,
        tpu.vector_store_idx %arg7[%parallel_loop3A_249], %parallel_loop3A_254 {add = true} : memref<10240xf32, #tpu.memory_space<vmem>>[vector<16xi32>], vector<16xf32>,
      } {sc.loop_unroll_factor = 5 : i64, sc.parallel_access}
    }
    %scan3A_71 = arith.constant 5 : i32
    "tpu.region"() ({
      %run_scoped3A_78 = tpu.sem_alloc : memref<!tpu.dma_semaphore, #tpu.memory_space<semaphore_mem>>
      %dma_start3A_79 = arith.constant 0 : i32
      %dma_start3A_80 = tpu.memref_slice %arg9[%arg1, %dma_start3A_79] : memref<16x10240xf32, #tpu.memory_space<vmem_shared>> -> memref<1x10240xf32, #tpu.memory_space<vmem_shared>>
      %dma_start3A_81 = tpu.memref_squeeze %dma_start3A_80 : memref<1x10240xf32, #tpu.memory_space<vmem_shared>> -> memref<10240xf32, #tpu.memory_space<vmem_shared>>
      %dma_start3A_82 = arith.constant 0 : i32
      %dma_start3A_83 = tpu.memref_slice %arg9[%arg1, %dma_start3A_82] : memref<16x10240xf32, #tpu.memory_space<vmem_shared>> -> memref<1x10240xf32, #tpu.memory_space<vmem_shared>>
      %dma_start3A_84 = tpu.memref_squeeze %dma_start3A_83 : memref<1x10240xf32, #tpu.memory_space<vmem_shared>> -> memref<10240xf32, #tpu.memory_space<vmem_shared>>
      tpu.enqueue_dma source(%arg7 : memref<10240xf32, #tpu.memory_space<vmem>>) target(%dma_start3A_84 : memref<10240xf32, #tpu.memory_space<vmem_shared>>) target_semaphore(%run_scoped3A_78 : memref<!tpu.dma_semaphore, #tpu.memory_space<semaphore_mem>>)
      %dma_wait3A = arith.constant 0 : i32
      %dma_wait3A_85 = tpu.memref_slice %arg9[%arg1, %dma_wait3A] : memref<16x10240xf32, #tpu.memory_space<vmem_shared>> -> memref<1x10240xf32, #tpu.memory_space<vmem_shared>>
      %dma_wait3A_86 = tpu.memref_squeeze %dma_wait3A_85 : memref<1x10240xf32, #tpu.memory_space<vmem_shared>> -> memref<10240xf32, #tpu.memory_space<vmem_shared>>
      %dma_wait3A_87 = arith.constant 0 : i32
      %dma_wait3A_88 = tpu.memref_slice %arg9[%arg1, %dma_wait3A_87] : memref<16x10240xf32, #tpu.memory_space<vmem_shared>> -> memref<1x10240xf32, #tpu.memory_space<vmem_shared>>
      %dma_wait3A_89 = tpu.memref_squeeze %dma_wait3A_88 : memref<1x10240xf32, #tpu.memory_space<vmem_shared>> -> memref<10240xf32, #tpu.memory_space<vmem_shared>>
      tpu.wait_dma2 semaphore(%run_scoped3A_78 : memref<!tpu.dma_semaphore, #tpu.memory_space<semaphore_mem>>) src(%arg7 : memref<10240xf32, #tpu.memory_space<vmem>>) dst(%dma_wait3A_89 : memref<10240xf32, #tpu.memory_space<vmem_shared>>)
      tpu.yield
    }) : () -> ()
    %barrier3A_72 = arith.constant 0 : index
    tpu.barrier barrier_id(%barrier3A_72)
    %eq3A_73 = arith.constant 0 : i32
    %eq3A_74 = arith.cmpi eq, %select_n3A_28, %eq3A_73 : i32
    %convert_element_type3A_75 = arith.extui %eq3A_74 : i1 to i32
    %cond3A_76 = arith.constant 0 : i32
    %cond3A_77 = arith.cmpi ne, %convert_element_type3A_75, %cond3A_76 : i32
    scf.if %cond3A_77 {
      %add3A_78 = arith.constant 8 : i32
      %add3A_79 = arith.addi %arg1, %add3A_78 : i32
      "tpu.region"() ({
        %run_scoped3A_86 = tpu.sem_alloc : memref<!tpu.dma_semaphore, #tpu.memory_space<semaphore_mem>>
        %dma_start3A_87 = arith.constant 0 : i32
        %dma_start3A_88 = tpu.memref_slice %arg9[%add3A_79, %dma_start3A_87] : memref<16x10240xf32, #tpu.memory_space<vmem_shared>> -> memref<1x10240xf32, #tpu.memory_space<vmem_shared>>
        %dma_start3A_89 = tpu.memref_squeeze %dma_start3A_88 : memref<1x10240xf32, #tpu.memory_space<vmem_shared>> -> memref<10240xf32, #tpu.memory_space<vmem_shared>>
        %dma_start3A_90 = arith.constant 0 : i32
        %dma_start3A_91 = tpu.memref_slice %arg9[%add3A_79, %dma_start3A_90] : memref<16x10240xf32, #tpu.memory_space<vmem_shared>> -> memref<1x10240xf32, #tpu.memory_space<vmem_shared>>
        %dma_start3A_92 = tpu.memref_squeeze %dma_start3A_91 : memref<1x10240xf32, #tpu.memory_space<vmem_shared>> -> memref<10240xf32, #tpu.memory_space<vmem_shared>>
        tpu.enqueue_dma source(%dma_start3A_92 : memref<10240xf32, #tpu.memory_space<vmem_shared>>) target(%arg8 : memref<10240xf32, #tpu.memory_space<vmem>>) target_semaphore(%run_scoped3A_86 : memref<!tpu.dma_semaphore, #tpu.memory_space<semaphore_mem>>)
        %dma_wait3A = arith.constant 0 : i32
        %dma_wait3A_93 = tpu.memref_slice %arg9[%add3A_79, %dma_wait3A] : memref<16x10240xf32, #tpu.memory_space<vmem_shared>> -> memref<1x10240xf32, #tpu.memory_space<vmem_shared>>
        %dma_wait3A_94 = tpu.memref_squeeze %dma_wait3A_93 : memref<1x10240xf32, #tpu.memory_space<vmem_shared>> -> memref<10240xf32, #tpu.memory_space<vmem_shared>>
        %dma_wait3A_95 = arith.constant 0 : i32
        %dma_wait3A_96 = tpu.memref_slice %arg9[%add3A_79, %dma_wait3A_95] : memref<16x10240xf32, #tpu.memory_space<vmem_shared>> -> memref<1x10240xf32, #tpu.memory_space<vmem_shared>>
        %dma_wait3A_97 = tpu.memref_squeeze %dma_wait3A_96 : memref<1x10240xf32, #tpu.memory_space<vmem_shared>> -> memref<10240xf32, #tpu.memory_space<vmem_shared>>
        tpu.wait_dma2 semaphore(%run_scoped3A_86 : memref<!tpu.dma_semaphore, #tpu.memory_space<semaphore_mem>>) src(%dma_wait3A_97 : memref<10240xf32, #tpu.memory_space<vmem_shared>>) dst(%arg8 : memref<10240xf32, #tpu.memory_space<vmem>>)
        tpu.yield
      }) : () -> ()
      %parallel_loop3A_80 = arith.constant 0 : i32
      %parallel_loop3A_81 = arith.constant 640 : i32
      %parallel_loop3A_82 = arith.constant 1 : i32
      scf.for %parallel_loop3A_86 = %parallel_loop3A_80 to %parallel_loop3A_81 step %parallel_loop3A_82  : i32 {
        %parallel_loop3A_87 = arith.constant 16 : i32
        %parallel_loop3A_88 = arith.muli %parallel_loop3A_86, %parallel_loop3A_87 : i32
        %parallel_loop3A_89 = arith.index_cast %parallel_loop3A_88 : i32 to index
        %parallel_loop3A_90 = tpu.vector_load %arg7[%parallel_loop3A_89] {strides = array<i32>} : memref<10240xf32, #tpu.memory_space<vmem>>, vector<16xf32>,
        %parallel_loop3A_91 = arith.index_cast %parallel_loop3A_88 : i32 to index
        %parallel_loop3A_92 = tpu.vector_load %arg8[%parallel_loop3A_91] {strides = array<i32>} : memref<10240xf32, #tpu.memory_space<vmem>>, vector<16xf32>,
        %parallel_loop3A_93 = arith.addf %parallel_loop3A_90, %parallel_loop3A_92 : vector<16xf32>
        %parallel_loop3A_94 = arith.index_cast %parallel_loop3A_88 : i32 to index
        %parallel_loop3A_95 = tpu.vector_load %arg7[%parallel_loop3A_94] {strides = array<i32>} : memref<10240xf32, #tpu.memory_space<vmem>>, vector<16xf32>,
        tpu.vector_store %arg7[%parallel_loop3A_94], %parallel_loop3A_93 {strides = array<i32>} : memref<10240xf32, #tpu.memory_space<vmem>>, vector<16xf32>,
      } {sc.loop_unroll_factor = 8 : i64, sc.parallel_access}
      %mul3A_83 = arith.constant 8 : i32
      %mul3A_84 = arith.muli %arg0, %mul3A_83 : i32
      %add3A_85 = arith.addi %mul3A_84, %select_n3A_7 : i32
      "tpu.region"() ({
        %run_scoped3A_86 = tpu.sem_alloc : memref<!tpu.dma_semaphore, #tpu.memory_space<semaphore_mem>>
        %dma_start3A_87 = arith.constant 0 : i32
        %dma_start3A_88 = tpu.memref_slice %arg7[%dma_start3A_87] : memref<10240xf32, #tpu.memory_space<vmem>> -> memref<10000xf32, #tpu.memory_space<vmem>>
        %dma_start3A_89 = arith.constant 0 : i32
        %dma_start3A_90 = tpu.memref_slice %arg4[%add3A_85, %dma_start3A_89] : memref<16x10000xf32, #tpu.memory_space<hbm>> -> memref<1x10000xf32, #tpu.memory_space<hbm>>
        %dma_start3A_91 = tpu.memref_squeeze %dma_start3A_90 : memref<1x10000xf32, #tpu.memory_space<hbm>> -> memref<10000xf32, #tpu.memory_space<hbm>>
        %dma_start3A_92 = arith.constant 0 : i32
        %dma_start3A_93 = tpu.memref_slice %arg4[%add3A_85, %dma_start3A_92] : memref<16x10000xf32, #tpu.memory_space<hbm>> -> memref<1x10000xf32, #tpu.memory_space<hbm>>
        %dma_start3A_94 = tpu.memref_squeeze %dma_start3A_93 : memref<1x10000xf32, #tpu.memory_space<hbm>> -> memref<10000xf32, #tpu.memory_space<hbm>>
        %dma_start3A_95 = arith.constant 0 : i32
        %dma_start3A_96 = tpu.memref_slice %arg7[%dma_start3A_95] : memref<10240xf32, #tpu.memory_space<vmem>> -> memref<10000xf32, #tpu.memory_space<vmem>>
        tpu.enqueue_dma source(%dma_start3A_96 : memref<10000xf32, #tpu.memory_space<vmem>>) target(%dma_start3A_94 : memref<10000xf32, #tpu.memory_space<hbm>>) target_semaphore(%run_scoped3A_86 : memref<!tpu.dma_semaphore, #tpu.memory_space<semaphore_mem>>)
        %dma_wait3A = arith.constant 0 : i32
        %dma_wait3A_97 = tpu.memref_slice %arg7[%dma_wait3A] : memref<10240xf32, #tpu.memory_space<vmem>> -> memref<10000xf32, #tpu.memory_space<vmem>>
        %dma_wait3A_98 = arith.constant 0 : i32
        %dma_wait3A_99 = tpu.memref_slice %arg4[%add3A_85, %dma_wait3A_98] : memref<16x10000xf32, #tpu.memory_space<hbm>> -> memref<1x10000xf32, #tpu.memory_space<hbm>>
        %dma_wait3A_100 = tpu.memref_squeeze %dma_wait3A_99 : memref<1x10000xf32, #tpu.memory_space<hbm>> -> memref<10000xf32, #tpu.memory_space<hbm>>
        %dma_wait3A_101 = arith.constant 0 : i32
        %dma_wait3A_102 = tpu.memref_slice %arg4[%add3A_85, %dma_wait3A_101] : memref<16x10000xf32, #tpu.memory_space<hbm>> -> memref<1x10000xf32, #tpu.memory_space<hbm>>
        %dma_wait3A_103 = tpu.memref_squeeze %dma_wait3A_102 : memref<1x10000xf32, #tpu.memory_space<hbm>> -> memref<10000xf32, #tpu.memory_space<hbm>>
        %dma_wait3A_104 = arith.constant 0 : i32
        %dma_wait3A_105 = tpu.memref_slice %arg7[%dma_wait3A_104] : memref<10240xf32, #tpu.memory_space<vmem>> -> memref<10000xf32, #tpu.memory_space<vmem>>
        tpu.wait_dma2 semaphore(%run_scoped3A_86 : memref<!tpu.dma_semaphore, #tpu.memory_space<semaphore_mem>>) src(%dma_wait3A_105 : memref<10000xf32, #tpu.memory_space<vmem>>) dst(%dma_wait3A_103 : memref<10000xf32, #tpu.memory_space<hbm>>)
        tpu.yield
      }) : () -> ()
    } else {
    }
    return
  }
}

</mosaic_0001>

<sc_bundles>
// kernel: kernel.3.cloned.1.call-start
scs
__scs_entry_jumppad:
0x0: {  	(pc) =	sbr.rel $0x88, $3  }
0x1: {  	(tag) =	ssettag $0x0;
	lr =	simm.s32 $0x1  }
0x2: {  	[smem:$0x3F9F] =	sst lr;
	_ =	strace $0xD0000000  }
0x3: {  	_ = 	snop  }
0x4: {  	_ = 	snop  }
0x5: {  	_ = 	snop  }
0x6: {  	_ = 	snop  }
0x7: {  	_ = 	snop  }
__scs_overlays_trampoline_lowered:
0x8: {  	[smem:$0x3FAE] =	sst s0  }
0x9: {  	[smem:$0x3FAF] =	sst s1  }
0xa: {  	[smem:$0x3FB0] =	sst s2  }
0xb: {  	[smem:$0x3FB1] =	sst s3  }
0xc: {  	[smem:$0x3FB2] =	sst s4  }
0xd: {  	[smem:$0x3FB3] =	sst s5  }
0xe: {  	[smem:$0x3FB4] =	sst s6  }
0xf: {  	[smem:$0x3FB5] =	sst s7  }
0x10: {  	[smem:$0x3FB6] =	sst s8  }
0x11: {  	[smem:$0x3FB7] =	sst s9;
	s0 =	simm.s32 @!p0 $0x0  }
0x12: {  	s1 =	sld [smem:$0x3F9D];
	s0 =	simm.s32 @p0 $0x1  }
0x13: {  	[smem:$0x3FB8] =	sst s0;
	s0 =	simm.s32 @!p1 $0x0  }
0x14: {  	s2 =	sld [smem:$0x3F9C];
	s0 =	simm.s32 @p1 $0x1  }
0x15: {  	[smem:$0x3FB9] =	sst s0;
	s0 =	simm.s32 @!p2 $0x0  }
0x16: {  	s3 =	sld [smem:$0x3FDB];
	s0 =	simm.s32 @p2 $0x1  }
0x17: {  	s4 =	simm.s32 $0x1BF5;
	[smem:$0x3FBB] =	sst s0  }
0x18: {  	s0 =	sld [smem:$0x3F9E];
	_ =	swait.ge [sflag:s4], $0x0  }
0x19: {  	s7 =	sld [smem:$0x3F9F]  }
0x1a: {  	s8 =	sadd.s32 $0xFFFFE003, lr  }
0x1b: {  	s9 =	sadd.s32 $0xFFFFFEF7, lr;
	s5 =	simm.s32 $0xFFFFFFFF;
	p2 =	slt.u32 s8, $0xFFFFF086  }
0x1c: {  	p1 =	slt.u32 s9, $0xF7A;
	s5 =	simm.s32 @!p2 $0x0  }
0x1d: {  	s5 =	simm.s32 @p1 $0x1;
	p0 =	seq.s32 s7, s2  }
0x1e: {  	s7 =	smul.u32 @!p0 $0xF7A, s2;
	p2 =	seq.s32 @!p0 s5, $0x0  }
0x1f: {  	s9 =	smul.u32 $0xF7A, s1;
	s8 =	simm.s32 @!p0 $0x1BF5;
	p2 =	por !p2, p0  }
0x20: {  	[sflag:s8] =	ssyncset.s32 @!p0 $0xFFFFF086;
	s6 =	sadd.s32 @!p0 s3, s7;
	s7 =	simm.s32 @!p0 $0x108  }
0x21: {  	s3 =	sadd.s32 s3, s9;
	s6 =	sadd.s32 @!p0 $0x88, s6;
	s7 =	simm.s32 @p2 $0x1082  }
0x22: {  	[simem:s7], [sflag:s8] =	dma.local @!p0 [hbm:s6], $0xF7A  }
0x23: {  	s9 =	sor.u32 $0xD0000000, s2;
	s6 =	simm.s32 $0x108;
	_ =	swait.ge @!p0 [sflag:s8], $0x0  }
0x24: {  	s3 =	sadd.s32 $0x88, s3;
	s6 =	simm.s32 @!p1 $0x1082;
	[sflag:s4] =	ssyncset.s32 $0xFFFFF086  }
0x25: {  	[simem:s6], [sflag:s4] =	dma.local [hbm:s3], $0xF7A  }
0x26: {  	[smem:$0x3F9F] =	sst s1;
	(tag) =	ssettag s2;
	_ =	strace s9  }
0x27: {  	s1 =	sld [smem:$0x3FAF]  }
0x28: {  	s2 =	sld [smem:$0x3FB0]  }
0x29: {  	s4 =	sld [smem:$0x3FB2]  }
0x2a: {  	p0 =	seq.s32 s5, $0x0;
	s5 =	sld [smem:$0x3FB3]  }
0x2b: {  	s6 =	sld [smem:$0x3FB4]  }
0x2c: {  	s7 =	sld [smem:$0x3FB5]  }
0x2d: {  	s3 =	simm.s32 $0x108;
	s8 =	sld [smem:$0x3FB6]  }
0x2e: {  	s3 =	simm.s32 @!p0 $0x1082;
	s9 =	sld [smem:$0x3FB7]  }
0x2f: {  	lr =	sadd.s32 s0, s3;
	s0 =	sld [smem:$0x3FAE]  }
0x30: {  	s3 =	sld [smem:$0x3FB1]  }
0x31: {  	[smem:$0x3FBA] =	sst s10  }
0x32: {  	s10 =	sld [smem:$0x3FB8];
	_ =	sdelay $0x3  }
0x33: {  	p0 =	seq.s32 s10, $0x1;
	s10 =	sld [smem:$0x3FBA];
	_ =	sdelay $0x3  }
0x34: {  	[smem:$0x3FBA] =	sst s10  }
0x35: {  	s10 =	sld [smem:$0x3FB9];
	_ =	sdelay $0x3  }
0x36: {  	p1 =	seq.s32 s10, $0x1;
	s10 =	sld [smem:$0x3FBA];
	_ =	sdelay $0x3  }
0x37: {  	[smem:$0x3FBA] =	sst s10  }
0x38: {  	s10 =	sld [smem:$0x3FBB]  }
0x39: {  	_ = 	snop;
	(pc) =	sbr.ind lr, $3  }
0x3a: {  	_ = 	snop  }
0x3b: {  	_ = 	snop  }
0x3c: {  	p2 =	seq.s32 s10, $0x1;
	s10 =	sld [smem:$0x3FBA]  }
0x3d: {  	_ =	shalt  }
0x3e: {  	_ =	shalt  }
0x3f: {  	_ =	shalt  }
0x40: {  	_ =	shalt  }
0x41: {  	_ =	shalt  }
0x42: {  	_ =	shalt  }
0x43: {  	_ =	shalt  }
0x44: {  	_ =	shalt  }
0x45: {  	_ =	shalt  }
0x46: {  	_ =	shalt  }
0x47: {  	_ =	shalt  }
0x48: {  	_ =	shalt  }
0x49: {  	_ =	shalt  }
0x4a: {  	_ =	shalt  }
0x4b: {  	_ =	shalt  }
0x4c: {  	_ =	shalt  }
0x4d: {  	_ =	shalt  }
0x4e: {  	_ =	shalt  }
0x4f: {  	_ =	shalt  }
0x50: {  	_ =	shalt  }
0x51: {  	_ =	shalt  }
0x52: {  	_ =	shalt  }
0x53: {  	_ =	shalt  }
0x54: {  	_ =	shalt  }
0x55: {  	_ =	shalt  }
0x56: {  	_ =	shalt  }
0x57: {  	_ =	shalt  }
0x58: {  	_ =	shalt  }
0x59: {  	_ =	shalt  }
0x5a: {  	_ =	shalt  }
0x5b: {  	_ =	shalt  }
0x5c: {  	_ =	shalt  }
0x5d: {  	_ =	shalt  }
0x5e: {  	_ =	shalt  }
0x5f: {  	_ =	shalt  }
0x60: {  	_ =	shalt  }
0x61: {  	_ =	shalt  }
0x62: {  	_ =	shalt  }
0x63: {  	_ =	shalt  }
0x64: {  	_ =	shalt  }
0x65: {  	_ =	shalt  }
0x66: {  	_ =	shalt  }
0x67: {  	_ =	shalt  }
0x68: {  	_ =	shalt  }
0x69: {  	_ =	shalt  }
0x6a: {  	_ =	shalt  }
0x6b: {  	_ =	shalt  }
0x6c: {  	_ =	shalt  }
0x6d: {  	_ =	shalt  }
0x6e: {  	_ =	shalt  }
0x6f: {  	_ =	shalt  }
0x70: {  	_ =	shalt  }
0x71: {  	_ =	shalt  }
0x72: {  	_ =	shalt  }
0x73: {  	_ =	shalt  }
0x74: {  	_ =	shalt  }
0x75: {  	_ =	shalt  }
0x76: {  	_ =	shalt  }
0x77: {  	_ =	shalt  }
0x78: {  	_ =	shalt  }
0x79: {  	_ =	shalt  }
0x7a: {  	_ =	shalt  }
0x7b: {  	_ =	shalt  }
0x7c: {  	_ =	shalt  }
0x7d: {  	_ =	shalt  }
0x7e: {  	_ =	shalt  }
0x7f: {  	_ =	shalt  }
0x80: {  	_ =	shalt  }
0x81: {  	_ =	shalt  }
0x82: {  	_ =	shalt  }
0x83: {  	_ =	shalt  }
0x84: {  	_ =	shalt  }
0x85: {  	_ =	shalt  }
0x86: {  	_ =	shalt  }
0x87: {  	_ =	shalt  }
.Lfunc_end0:
.L_simem_size_0:
called_computation_lowered:
.L_overlay_start_0:
0x88: {  	s2 =	sld [smem:$0x3FD9]  }
0x89: {  	s3 =	sld [smem:$0x3FFE];
	_ =	sdelay $0x1  }
0x8a: {  	s1 =	srdreg.scid  }
0x8b: {  	s0 =	sand.u32 $0x1, s1  }
0x8c: {  	s17 =	sshll.u32 s0, $0xA;
	s2 =	sadd.s32 s3, s2  }
0x8d: {  	s2 =	sadd.s32 s2, s17  }
0x8e: {  	[smem:$0x3FC6] =	sst s2  }
0x8f: {  	_ = 	snop  }
0x90: {  	s2 =	sld [smem:$0x3FC9]  }
0x91: {  	s18 =	sld [smem:$0x3FC8];
	(tm) =	ssettm $0x1  }
0x92: {  	s4 =	sld [smem:$0x3FFB];
	_ =	sdelay $0x3  }
0x93: {  	_ =	strace s4  }
0x94: {  	s4 =	sld [smem:$0x3FFC];
	_ =	sdelay $0x3  }
0x95: {  	_ =	strace s4  }
0x96: {  	s4 =	sld [smem:$0x3FFD];
	_ =	sdelay $0x3  }
0x97: {  	_ =	strace s4  }
0x98: {  	_ =	strace $0x8FFFFFFF  }
0x99: {  	s19 =	sld [smem:$0x3FDB];
	_ =	sdelay $0x1  }
0x9a: {  	s5 =	simm.s32 $_scs_section_size  }
0x9b: {  	s6 =	simm.s32 $_size__tile_overlayer_lowered;
	s7 =	simm.s32 $_tile_overlayer_lowered  }
0x9c: {  	s22 =	simm.s32 $0x1BFF;
	s21 =	sshll.u32 s7, $0x1;
	s4 =	sadd.s32 s5, s19  }
0x9d: {  	s8 =	simm.s32 $0x0;
	s20 =	sshll.u32 s6, $0x1;
	s6 =	sadd.s32 s21, s4  }
0x9e: {  	[timem:s8], [sflag:s22] =	dma.local [hbm:s6], s20  }
0x9f: {  	_ =	swait.ge [sflag:s22], s20  }
0xa0: {  	s5 =	ssub.s32 $0x0, s20;
	[sflag:s22] =	ssyncset.done $0x0  }
0xa1: {  	[sflag:s22] =	ssyncadd.s32 s5;
	_ =	sdelay $0x1  }
0xa2: {  	s23 =	simm.s32 $0x1B8B  }
0xa3: {  	_ =	swait.ge [sflag:s23], $0x1  }
0xa4: {  	[sflag:s23] =	ssyncset.done $0x0  }
0xa5: {  	s25 =	simm.s32 $0x1B8E;
	s24 =	sld [smem:$0x3FFE];
	[sflag:s23] =	ssyncadd.s32 $0xFFFFFFFF  }
0xa6: {  	s26 =	simm.s32 $execute0_lowered;
	[smem:$0x3FD2] =	sst s25  }
0xa7: {  	s6 =	sshll.u32 s26, $0x1;
	_ =	strace $0x80000046;
	[dreg:$0x1] =	wrdreg $0xFFFFFFFF  }
0xa8: {  	s28 =	simm.s32 $_size_execute0_lowered;
	s4 =	sadd.s32 s4, s6;
	[dreg:$0x0] =	wrdreg $0x0  }
0xa9: {  	s6 =	sshll.u32 s28, $0x1;
	[dreg:$0x2] =	wrdreg s4  }
0xaa: {  	[dreg:$0x3] =	wrdreg s6  }
0xab: {  	[dreg:$0x4] =	wrdreg $0xC0  }
0xac: {  	_ =	task [dreg:s8], $0x5FFFF  }
0xad: {  	[dreg:$0x1] =	wrdreg $0xFFFFFFFF  }
0xae: {  	[dreg:$0x0] =	wrdreg $0x60  }
0xaf: {  	[dreg:$0x2] =	wrdreg s2  }
0xb0: {  	[dreg:$0x3] =	wrdreg s18  }
0xb1: {  	[dreg:$0x4] =	wrdreg s24  }
0xb2: {  	[dreg:$0x5] =	wrdreg $0x172000  }
0xb3: {  	[dreg:$0x6] =	wrdreg $0x14A000  }
0xb4: {  	[dreg:$0x7] =	wrdreg $0x9  }
0xb5: {  	_ =	task.clear_ibuf [dreg:s8], $0x8FFFF;
	_ =	strace $0x90000046  }
0xb6: {  	s29 =	simm.s32 $0x9;
	_ =	strace $0x80000048  }
0xb7: {  	_ =	swait.ge [sflag:s29], $0x1  }
0xb8: {  	[sflag:s29] =	ssyncadd.s32 $0xFFFFFFFF  }
0xb9: {  	_ =	strace $0x90000048  }
0xba: {  	_ =	sfence  }
0xbb: {  	s30 =	sld [smem:$0x0];
	_ =	sdelay $0x2  }
0xbc: {  	s31 =	sshll.u32 s1, $0xD;
	s1 =	sshrl.u32 s1, $0x2  }
0xbd: {  	s3 =	sand.u32 $0x4000, s31;
	s1 =	sadd.s32 s1, s30  }
0xbe: {  	s0 =	sor.u32 s3, s0;
	s1 =	sshll.u32 s1, $0x11  }
0xbf: {  	s0 =	sor.u32 s1, s0  }
0xc0: {  	s0 =	sadd.s32 $0x8F2B, s0  }
0xc1: {  	[sflag:s0] =	ssyncadd.remote.s32 $0x1  }
0xc2: {  	_ =	sfence.sel $0xFFFF  }
0xc3: {  	[dreg:$0x0] =	wrdreg $0xFFFFFFFF;
	(pc) =	sbr.abs _section_cstart, $3  }
0xc4: {  	[dreg:$0x1] =	wrdreg $0xFFFFFFFF  }
0xc5: {  	_ =	task.clear_ibuf [dreg:s8], $0x2FFFF;
	_ =	strace $0x9FFFFFFF  }
0xc6: {  	(tm) =	ssettm $0x7FFFFFFF  }
0xc7: {  	_ =	shalt  }
tec
execute0_lowered:
.L_overlay_start_1:
0x0: {  	(tag) =	ssettag $0x1  }
0x1: {  	s1 =	rddreg [dreg:$0x0]  }
0x2: {  	s0 =	rddreg [dreg:$0x1]  }
0x3: {  	s2 =	rddreg [dreg:$0x2]  }
0x4: {  	s3 =	rddreg [dreg:$0x3]  }
0x5: {  	s4 =	srdreg.scid;
	s11 =	rddreg [dreg:$0x4]  }
0x6: {  	s18 =	stileid.u32;
	s6 =	simm.s32 $0x0;
	s28 =	simm.s32 $0x3E80  }
0x7: {  	s29 =	simm.s32 $0xBB80;
	s30 =	simm.s32 $0xFA00;
	s31 =	simm.s32 $0x4  }
0x8: {  	s4 =	sand.u32 $0x1, s4;
	[smem:$0x7FF] =	sst s6;
	s7 =	smul.u32 $0x13800, s18  }
0x9: {  	s15 =	sshrl.u32 s18, $0x3;
	s10 =	smul.u32 $0x1380, s18;
	s1 =	sadd.s32 $0x10, s1  }
0xa: {  	s16 =	sor.u32 $0x9C0, s18;
	s20 =	sshll.u32 s18, $0x6;
	p0 =	sgt.u32 s18, $0x3  }
0xb: {  	s5 =	sshll.u32 s4, $0x3;
	_ =	strace $0x80000047;
	s13 =	smul.u32 $0x4E2, s15  }
0xc: {  	s8 =	ssub.s32 $0x2, s4;
	s4 =	smul.u32 $0x271000, s4;
	s6 =	sor.u32 $0x1C05, s20  }
0xd: {  	s21 =	smul.u32 $0x138800, s15;
	p1 =	sne.s32 s15, $0x0;
	s5 =	sadd.s32 s18, s5  }
0xe: {  	s9 =	sshrl.u32 s8, $0x1;
	s12 =	sshrl.u32 s7, $0x2;
	s5 =	smul.u32 $0x4E2, s5  }
0xf: {  	s7 =	sshll.u32 s16, $0x5;
	s14 =	ssub.s32 s8, s9;
	s9 =	smul.u32 $0x9C400, s15  }
0x10: {  	s17 =	sadd.s32 s12, s3;
	s8 =	sshll.u32 s16, $0x7;
	s12 =	smul.u32 $0xA000, s18  }
0x11: {  	s7 =	sadd.s32 s7, s1;
	s19 =	sadd.s32 s8, s3;
	s8 =	sadd.s32 s4, s21  }
0x12: {  	s16 =	smax.u32 s14, $0x1;
	s17 =	sshrl.u32 s17, $0x3;
	s21 =	simm.s32 $0x5  }
0x13: {  	s2 =	sadd.s32 s5, s2;
	s5 =	sadd.s32 s10, s1;
	s10 =	sshll.u32 s18, $0x7  }
0x14: {  	s22 =	sshrl.u32 s9, $0x2;
	s12 =	sshrl.u32 s12, $0x2;
	s18 =	simm.s32 $0x1  }
0x15: {  	s1 =	simm.s32 $0x2;
	s10 =	sand.u32 $0x380, s10;
	s11 =	sadd.s32 s12, s11  }
0x16: {  	s12 =	sadd.s32 $0x7D, s13;
	s13 =	sadd.s32 $0xFA, s13;
	s26 =	sadd.s32 $0x400, s2  }
.Ltmp0:
0x17: {  	s2 =	simm.s32 $0x0;
	s23 =	sor.u32 s10, s8;
	(pc) =	sbr.rel .LBB2_1-.Ltmp0, $4  }
0x18: {  	s8 =	sadd.s32 s22, s3;
	s10 =	sor.u32 s10, s4;
	s25 =	sadd.s32 $0x14000, s11  }
0x19: {  	[dreg:$0x7] =	wrdreg s26;
	s22 =	sshrl.u32 @!p0 s19, $0x3;
	s26 =	simm.s32 $0x3  }
0x1a: {  	s24 =	sshrl.u32 s23, $0x3;
	[dreg:$0x6] =	wrdreg s25;
	s23 =	simm.s32 $0x80  }
0x1b: {  	v0 =	vimm.f32 $0.0e+00;
	s25 =	simm.s32 $0x7D00;
	s9 =	sadd.s32 s0, s24;
	s24 =	simm.s32 $0x400  }
.LBB2_13:
0x1c: {  	s2 =	sadd.s32 $0x1, s2  }
0x1d: {  	p2 =	sne.s32 s2, s16  }
.Ltmp1:
0x1e: {  	_ = 	snop;
	(pc) =	sbr.rel @!p2 .LBB2_14-.Ltmp1, $1  }
0x1f: {  	_ =	sdelay $0x3  }
.LBB2_1:
0x20: {  	s4 =	simm.s32 $0x10;
	s14 =	simm.s32 $0x20  }
0x21: {  	[spmem:s17@s4], [sflag:s6] =	dma.strided [hbm:s5@s14], $0x9C0, s18, $0x10   }
0x22: {  	_ =	swait.ge [sflag:s21], $0x9C0  }
0x23: {  	[sflag:s21] =	ssyncset.done $0x0  }
0x24: {  	s4 =	simm.s32 @!p0 $0x5;
	[sflag:s21] =	ssyncadd.s32 $0xFFFFF640  }
0x25: {  	[spmem:s22], [sflag:s6] =	dma.local @!p0 [hbm:s7], $0x10  }
0x26: {  	_ =	swait.ge @!p0 [sflag:s4], $0x10  }
0x27: {  	[sflag:s4] =	ssyncset.done @!p0 $0x0  }
0x28: {  	[sflag:s4] =	ssyncadd.s32 @!p0 $0xFFFFFFF0;
	s4 =	simm.s32 $0xFA40  }
0x29: {  	[tilespmem:s4+$0xFFFFFFC0] =	vst v0  }
0x2a: {  	[tilespmem:s4+$0x30] =	vst v0  }
0x2b: {  	[tilespmem:s4+$0x20] =	vst v0  }
0x2c: {  	[tilespmem:s4+$0x10] =	vst v0  }
0x2d: {  	[tilespmem:s4+$0x0] =	vst v0  }
0x2e: {  	[tilespmem:s4+$0xFFFFFFF0] =	vst v0  }
0x2f: {  	s14 =	simm.s32 $0x0;
	[tilespmem:s4+$0xFFFFFFE0] =	vst v0  }
.LBB2_2:
0x30: {  	s14 =	sadd.s32 $0x8, s14;
	[tilespmem:s4+$0xFFFFFFD0] =	vst v0;
	s4 =	sadd.s32 $0x80, s4  }
0x31: {  	[tilespmem:s4+$0xFFFFFFC0] =	vst v0;
	p2 =	slt.u32 s14, $0x278  }
0x32: {  	[tilespmem:s4+$0x30] =	vst v0  }
.Ltmp2:
0x33: {  	[tilespmem:s4+$0x20] =	vst v0;
	(pc) =	sbr.rel @p2 .LBB2_2-.Ltmp2, $4  }
0x34: {  	[tilespmem:s4+$0x10] =	vst v0  }
0x35: {  	[tilespmem:s4+$0x0] =	vst v0  }
0x36: {  	[tilespmem:s4+$0xFFFFFFF0] =	vst v0  }
0x37: {  	[tilespmem:s4+$0xFFFFFFE0] =	vst v0  }
0x38: {  	[tilespmem:s4+$0xFFFFFFD0] =	vst v0  }
0x39: {  	s4 =	simm.s32 $0x0;
	[bflag:$0x0] =	sbarrier.arrive $0xFFFF  }
0x3a: {  	[tilespmem:s4], [sflag:$0x3] =	stream.linear.gather [spmem:s8], $0x3E80, $0x38;
	[tilespmem:$0x1C020] =	vst v63  }
0x3b: {  	_ = 	snop  }
0x3c: {  	[tilespmem:s25], [sflag:$0x1] =	stream.strided.gather [hbm4b:s9+s23], $0x3E80, s24, s23, $0x38;
	[tilespmem:$0x1C020] =	vst v63  }
.LBB2_4:
0x3d: {  	_ =	swait.ge [sflag:s26], $0x3E80;
	s14 =	smul.u32 $0xFA, s4  }
0x3e: {  	[sflag:s26] =	ssyncset.done $0x0  }
0x3f: {  	[sflag:s26] =	ssyncadd.s32 $0xFFFFC180;
	s15 =	sadd.s32 s14, s12  }
0x40: {  	_ =	swait.ge [sflag:s18], $0x3E80;
	s19 =	sshll.u32 s15, $0x7;
	s15 =	sshll.u32 s15, $0xA  }
0x41: {  	[sflag:s18] =	ssyncset.done $0x0;
	s19 =	sand.u32 $0x3FFFFF80, s19;
	s15 =	sadd.s32 s10, s15  }
0x42: {  	[sflag:s18] =	ssyncadd.s32 $0xFFFFC180;
	s19 =	sadd.s32 s19, s3;
	s15 =	sshrl.u32 s15, $0x3  }
0x43: {  	[tilespmem:s28], [sflag:$0x4] =	stream.linear.gather [spmem:s19], $0x3E80, $0x38;
	[tilespmem:$0x1C020] =	vst v63  }
0x44: {  	s20 =	simm.s32 $0x140;
	s15 =	sadd.s32 s0, s15  }
0x45: {  	[tilespmem:s29], [sflag:$0x2] =	stream.strided.gather [hbm4b:s15+s23], $0x3E80, s24, s23, $0x38;
	[tilespmem:$0x1C020] =	vst v63  }
0x46: {  	v1 =	vld [tilespmem:s20+$0xC0]  }
0x47: {  	v2 =	vld [tilespmem:s20+$0xFFFFFF40]  }
0x48: {  	v3 =	vld [tilespmem:s20+$0xFFFFFFC0]  }
0x49: {  	s15 =	simm.s32 $0x7E40;
	v6 =	vld [tilespmem:s20+$0xFFFFFEC0]  }
0x4a: {  	v4 =	vld [tilespmem:s15+$0xC0]  }
0x4b: {  	v5 =	vld [tilespmem:s20+$0x40]  }
0x4c: {  	v7 =	vld [tilespmem:s15+$0xFFFFFEC0]  }
0x4d: {  	v8 =	vld [tilespmem:s15+$0xFFFFFF40]  }
0x4e: {  	v9 =	vld [tilespmem:s15+$0x40]  }
0x4f: {  	[tilespmem:v1+s30+$0x0] =	vst.idx.add.f32.msk $0xffff, v4  }
0x50: {  	v4 =	vld [tilespmem:s15+$0xFFFFFFC0]  }
0x51: {  	[tilespmem:v6+s30+$0x0] =	vst.idx.add.f32.msk $0xffff, v7  }
0x52: {  	[tilespmem:v2+s30+$0x0] =	vst.idx.add.f32.msk $0xffff, v8  }
0x53: {  	[tilespmem:v5+s30+$0x0] =	vst.idx.add.f32.msk $0xffff, v9  }
0x54: {  	v1 =	vld [tilespmem:s20+$0xD0]  }
0x55: {  	v10 =	vld [tilespmem:s15+$0xD0]  }
0x56: {  	v2 =	vld [tilespmem:s20+$0xFFFFFED0]  }
0x57: {  	v6 =	vld [tilespmem:s20+$0x50]  }
0x58: {  	v7 =	vld [tilespmem:s15+$0xFFFFFED0]  }
0x59: {  	v8 =	vld [tilespmem:s15+$0xFFFFFF50]  }
0x5a: {  	v9 =	vld [tilespmem:s15+$0x50]  }
0x5b: {  	[tilespmem:v3+s30+$0x0] =	vst.idx.add.f32.msk $0xffff, v4  }
0x5c: {  	v3 =	vld [tilespmem:s20+$0xFFFFFF50]  }
0x5d: {  	v5 =	vld [tilespmem:s20+$0xFFFFFFD0]  }
0x5e: {  	[tilespmem:v1+s30+$0x0] =	vst.idx.add.f32.msk $0xffff, v10  }
0x5f: {  	[tilespmem:v2+s30+$0x0] =	vst.idx.add.f32.msk $0xffff, v7  }
0x60: {  	v1 =	vld [tilespmem:s20+$0xE0]  }
0x61: {  	[tilespmem:v6+s30+$0x0] =	vst.idx.add.f32.msk $0xffff, v9  }
0x62: {  	v4 =	vld [tilespmem:s15+$0xE0]  }
0x63: {  	v2 =	vld [tilespmem:s20+$0xFFFFFEE0]  }
0x64: {  	v6 =	vld [tilespmem:s20+$0x60]  }
0x65: {  	v7 =	vld [tilespmem:s15+$0xFFFFFEE0]  }
0x66: {  	v9 =	vld [tilespmem:s15+$0x60]  }
0x67: {  	[tilespmem:v3+s30+$0x0] =	vst.idx.add.f32.msk $0xffff, v8  }
0x68: {  	[tilespmem:v1+s30+$0x0] =	vst.idx.add.f32.msk $0xffff, v4  }
0x69: {  	v1 =	vld [tilespmem:s20+$0xF0]  }
0x6a: {  	v3 =	vld [tilespmem:s20+$0xFFFFFF60]  }
0x6b: {  	v8 =	vld [tilespmem:s15+$0xFFFFFF60]  }
0x6c: {  	v10 =	vld [tilespmem:s15+$0xF0]  }
0x6d: {  	v4 =	vld [tilespmem:s15+$0xFFFFFFD0]  }
0x6e: {  	[tilespmem:v2+s30+$0x0] =	vst.idx.add.f32.msk $0xffff, v7  }
0x6f: {  	[tilespmem:v6+s30+$0x0] =	vst.idx.add.f32.msk $0xffff, v9  }
0x70: {  	v2 =	vld [tilespmem:s20+$0xFFFFFEF0]  }
0x71: {  	[tilespmem:v1+s30+$0x0] =	vst.idx.add.f32.msk $0xffff, v10  }
0x72: {  	v1 =	vld [tilespmem:s20+$0x100]  }
0x73: {  	v6 =	vld [tilespmem:s20+$0x70]  }
0x74: {  	[tilespmem:v5+s30+$0x0] =	vst.idx.add.f32.msk $0xffff, v4  }
0x75: {  	v4 =	vld [tilespmem:s15+$0x100]  }
0x76: {  	v7 =	vld [tilespmem:s15+$0xFFFFFEF0]  }
0x77: {  	[tilespmem:v3+s30+$0x0] =	vst.idx.add.f32.msk $0xffff, v8  }
0x78: {  	v5 =	vld [tilespmem:s20+$0xFFFFFFE0]  }
0x79: {  	v3 =	vld [tilespmem:s20+$0xFFFFFF70]  }
0x7a: {  	[tilespmem:v1+s30+$0x0] =	vst.idx.add.f32.msk $0xffff, v4  }
0x7b: {  	v4 =	vld [tilespmem:s15+$0xFFFFFFE0]  }
0x7c: {  	v1 =	vld [tilespmem:s20+$0x110]  }
0x7d: {  	v8 =	vld [tilespmem:s15+$0xFFFFFF70]  }
0x7e: {  	[tilespmem:v2+s30+$0x0] =	vst.idx.add.f32.msk $0xffff, v7  }
0x7f: {  	v10 =	vld [tilespmem:s15+$0x110]  }
0x80: {  	[tilespmem:v5+s30+$0x0] =	vst.idx.add.f32.msk $0xffff, v4  }
0x81: {  	v5 =	vld [tilespmem:s20+$0xFFFFFFF0]  }
0x82: {  	[tilespmem:v3+s30+$0x0] =	vst.idx.add.f32.msk $0xffff, v8  }
0x83: {  	v9 =	vld [tilespmem:s15+$0xFFFFFFF0]  }
0x84: {  	[tilespmem:v1+s30+$0x0] =	vst.idx.add.f32.msk $0xffff, v10  }
0x85: {  	v10 =	vld [tilespmem:s15+$0x70]  }
0x86: {  	v2 =	vld [tilespmem:s20+$0xFFFFFF80]  }
0x87: {  	v1 =	vld [tilespmem:s20+$0x120]  }
0x88: {  	v4 =	vld [tilespmem:s15+$0x120]  }
0x89: {  	[tilespmem:v5+s30+$0x0] =	vst.idx.add.f32.msk $0xffff, v9  }
0x8a: {  	[tilespmem:v6+s30+$0x0] =	vst.idx.add.f32.msk $0xffff, v10  }
0x8b: {  	v5 =	vld [tilespmem:s15+$0xFFFFFF00]  }
0x8c: {  	v6 =	vld [tilespmem:s15+$0xFFFFFF80]  }
0x8d: {  	v3 =	vld [tilespmem:s20+$0x0]  }
0x8e: {  	v7 =	vld [tilespmem:s15+$0x0]  }
0x8f: {  	v8 =	vld [tilespmem:s15+$0x80]  }
0x90: {  	[tilespmem:v1+s30+$0x0] =	vst.idx.add.f32.msk $0xffff, v4  }
0x91: {  	v1 =	vld [tilespmem:s20+$0xFFFFFF00]  }
0x92: {  	v4 =	vld [tilespmem:s20+$0x80]  }
0x93: {  	v9 =	vld [tilespmem:s20+$0x130]  }
0x94: {  	[tilespmem:v2+s30+$0x0] =	vst.idx.add.f32.msk $0xffff, v6  }
0x95: {  	v10 =	vld [tilespmem:s15+$0x130]  }
0x96: {  	v2 =	vld [tilespmem:s20+$0xFFFFFF90]  }
0x97: {  	v6 =	vld [tilespmem:s15+$0xFFFFFF90]  }
0x98: {  	[tilespmem:v3+s30+$0x0] =	vst.idx.add.f32.msk $0xffff, v7  }
0x99: {  	v3 =	vld [tilespmem:s20+$0x10]  }
0x9a: {  	v7 =	vld [tilespmem:s15+$0x10]  }
0x9b: {  	[tilespmem:v1+s30+$0x0] =	vst.idx.add.f32.msk $0xffff, v5  }
0x9c: {  	[tilespmem:v4+s30+$0x0] =	vst.idx.add.f32.msk $0xffff, v8  }
0x9d: {  	v1 =	vld [tilespmem:s20+$0xFFFFFF10]  }
0x9e: {  	v4 =	vld [tilespmem:s20+$0x90]  }
0x9f: {  	v5 =	vld [tilespmem:s15+$0xFFFFFF10]  }
0xa0: {  	v8 =	vld [tilespmem:s15+$0x90]  }
0xa1: {  	[tilespmem:v9+s30+$0x0] =	vst.idx.add.f32.msk $0xffff, v10  }
0xa2: {  	[tilespmem:v2+s30+$0x0] =	vst.idx.add.f32.msk $0xffff, v6  }
0xa3: {  	v2 =	vld [tilespmem:s20+$0xFFFFFFA0]  }
0xa4: {  	v6 =	vld [tilespmem:s15+$0xFFFFFFA0]  }
0xa5: {  	[tilespmem:v3+s30+$0x0] =	vst.idx.add.f32.msk $0xffff, v7  }
0xa6: {  	v3 =	vld [tilespmem:s20+$0x20]  }
0xa7: {  	v7 =	vld [tilespmem:s15+$0x20]  }
0xa8: {  	[tilespmem:v1+s30+$0x0] =	vst.idx.add.f32.msk $0xffff, v5  }
0xa9: {  	[tilespmem:v4+s30+$0x0] =	vst.idx.add.f32.msk $0xffff, v8  }
0xaa: {  	v1 =	vld [tilespmem:s20+$0xFFFFFF20]  }
0xab: {  	v4 =	vld [tilespmem:s20+$0xA0]  }
0xac: {  	v5 =	vld [tilespmem:s15+$0xFFFFFF20]  }
0xad: {  	v8 =	vld [tilespmem:s15+$0xA0]  }
0xae: {  	[tilespmem:v2+s30+$0x0] =	vst.idx.add.f32.msk $0xffff, v6  }
0xaf: {  	v6 =	vld [tilespmem:s15+$0xFFFFFFB0]  }
0xb0: {  	[tilespmem:v3+s30+$0x0] =	vst.idx.add.f32.msk $0xffff, v7  }
0xb1: {  	v2 =	vld [tilespmem:s20+$0x30]  }
0xb2: {  	v3 =	vld [tilespmem:s15+$0x30]  }
0xb3: {  	[tilespmem:v1+s30+$0x0] =	vst.idx.add.f32.msk $0xffff, v5  }
0xb4: {  	[tilespmem:v4+s30+$0x0] =	vst.idx.add.f32.msk $0xffff, v8  }
0xb5: {  	v5 =	vld [tilespmem:s20+$0xFFFFFFB0]  }
0xb6: {  	v7 =	vld [tilespmem:s20+$0xFFFFFF30]  }
0xb7: {  	v1 =	vld [tilespmem:s20+$0xB0]  }
0xb8: {  	v9 =	vld [tilespmem:s15+$0xB0]  }
0xb9: {  	s19 =	simm.s32 $0x0;
	v8 =	vld [tilespmem:s15+$0xFFFFFF30];
	s20 =	simm.s32 $0x3C0  }
.LBB2_5:
0xba: {  	v10 =	vld [tilespmem:s20+$0xC0];
	s19 =	sadd.s32 $0x5, s19  }
0xbb: {  	v11 =	vld [tilespmem:s20+$0xFFFFFF40];
	p2 =	slt.u32 s19, $0x78  }
0xbc: {  	s15 =	sadd.s32 $0x280, s15;
	v12 =	vld [tilespmem:s20+$0xFFFFFFC0]  }
0xbd: {  	v13 =	vld [tilespmem:s15+$0xC0];
	v4 =	vmov v9  }
0xbe: {  	v9 =	vld [tilespmem:s20+$0x40]  }
0xbf: {  	v14 =	vld [tilespmem:s20+$0xFFFFFEC0]  }
0xc0: {  	v15 =	vld [tilespmem:s15+$0xFFFFFEC0]  }
0xc1: {  	v16 =	vld [tilespmem:s15+$0xFFFFFF40]  }
0xc2: {  	[tilespmem:v10+s30+$0x0] =	vst.idx.add.f32.msk $0xffff, v13  }
0xc3: {  	v10 =	vld [tilespmem:s20+$0xD0]  }
0xc4: {  	v13 =	vld [tilespmem:s15+$0xFFFFFFC0]  }
0xc5: {  	v17 =	vld [tilespmem:s15+$0x40]  }
0xc6: {  	v18 =	vld [tilespmem:s15+$0xD0]  }
0xc7: {  	[tilespmem:v14+s30+$0x0] =	vst.idx.add.f32.msk $0xffff, v15  }
0xc8: {  	[tilespmem:v11+s30+$0x0] =	vst.idx.add.f32.msk $0xffff, v16  }
0xc9: {  	[tilespmem:v12+s30+$0x0] =	vst.idx.add.f32.msk $0xffff, v13  }
0xca: {  	[tilespmem:v9+s30+$0x0] =	vst.idx.add.f32.msk $0xffff, v17  }
0xcb: {  	[tilespmem:v10+s30+$0x0] =	vst.idx.add.f32.msk $0xffff, v18  }
0xcc: {  	v9 =	vld [tilespmem:s20+$0xE0]  }
0xcd: {  	v10 =	vld [tilespmem:s20+$0xFFFFFED0]  }
0xce: {  	v11 =	vld [tilespmem:s20+$0xFFFFFF50]  }
0xcf: {  	v12 =	vld [tilespmem:s15+$0xE0]  }
0xd0: {  	v13 =	vld [tilespmem:s20+$0xFFFFFFD0]  }
0xd1: {  	v14 =	vld [tilespmem:s20+$0x50]  }
0xd2: {  	v15 =	vld [tilespmem:s15+$0xFFFFFED0]  }
0xd3: {  	v16 =	vld [tilespmem:s15+$0xFFFFFF50]  }
0xd4: {  	[tilespmem:v9+s30+$0x0] =	vst.idx.add.f32.msk $0xffff, v12  }
0xd5: {  	v9 =	vld [tilespmem:s20+$0xF0]  }
0xd6: {  	v12 =	vld [tilespmem:s15+$0xFFFFFFD0]  }
0xd7: {  	v17 =	vld [tilespmem:s15+$0x50]  }
0xd8: {  	v18 =	vld [tilespmem:s15+$0xF0]  }
0xd9: {  	[tilespmem:v10+s30+$0x0] =	vst.idx.add.f32.msk $0xffff, v15  }
0xda: {  	[tilespmem:v11+s30+$0x0] =	vst.idx.add.f32.msk $0xffff, v16  }
0xdb: {  	[tilespmem:v13+s30+$0x0] =	vst.idx.add.f32.msk $0xffff, v12  }
0xdc: {  	[tilespmem:v14+s30+$0x0] =	vst.idx.add.f32.msk $0xffff, v17  }
0xdd: {  	[tilespmem:v9+s30+$0x0] =	vst.idx.add.f32.msk $0xffff, v18  }
0xde: {  	v9 =	vld [tilespmem:s20+$0x100]  }
0xdf: {  	v10 =	vld [tilespmem:s20+$0xFFFFFEE0]  }
0xe0: {  	v11 =	vld [tilespmem:s20+$0xFFFFFF60]  }
0xe1: {  	v12 =	vld [tilespmem:s15+$0x100]  }
0xe2: {  	v13 =	vld [tilespmem:s20+$0xFFFFFFE0]  }
0xe3: {  	v14 =	vld [tilespmem:s20+$0x60]  }
0xe4: {  	v15 =	vld [tilespmem:s15+$0xFFFFFEE0]  }
0xe5: {  	v16 =	vld [tilespmem:s15+$0xFFFFFF60]  }
0xe6: {  	[tilespmem:v9+s30+$0x0] =	vst.idx.add.f32.msk $0xffff, v12  }
0xe7: {  	v9 =	vld [tilespmem:s20+$0x110]  }
0xe8: {  	v12 =	vld [tilespmem:s15+$0xFFFFFFE0]  }
0xe9: {  	v17 =	vld [tilespmem:s15+$0x60]  }
0xea: {  	v18 =	vld [tilespmem:s15+$0x110]  }
0xeb: {  	[tilespmem:v10+s30+$0x0] =	vst.idx.add.f32.msk $0xffff, v15  }
0xec: {  	[tilespmem:v11+s30+$0x0] =	vst.idx.add.f32.msk $0xffff, v16  }
0xed: {  	[tilespmem:v13+s30+$0x0] =	vst.idx.add.f32.msk $0xffff, v12  }
0xee: {  	[tilespmem:v14+s30+$0x0] =	vst.idx.add.f32.msk $0xffff, v17  }
0xef: {  	[tilespmem:v9+s30+$0x0] =	vst.idx.add.f32.msk $0xffff, v18  }
0xf0: {  	v9 =	vld [tilespmem:s20+$0x120]  }
0xf1: {  	v10 =	vld [tilespmem:s20+$0xFFFFFEF0]  }
0xf2: {  	v11 =	vld [tilespmem:s20+$0xFFFFFF70]  }
0xf3: {  	v12 =	vld [tilespmem:s15+$0x120]  }
0xf4: {  	v13 =	vld [tilespmem:s20+$0xFFFFFFF0]  }
0xf5: {  	v14 =	vld [tilespmem:s20+$0x70]  }
0xf6: {  	v15 =	vld [tilespmem:s15+$0xFFFFFEF0]  }
0xf7: {  	v16 =	vld [tilespmem:s15+$0xFFFFFF70]  }
0xf8: {  	[tilespmem:v9+s30+$0x0] =	vst.idx.add.f32.msk $0xffff, v12  }
0xf9: {  	v9 =	vld [tilespmem:s20+$0x130]  }
0xfa: {  	v12 =	vld [tilespmem:s15+$0xFFFFFFF0]  }
0xfb: {  	v17 =	vld [tilespmem:s15+$0x70]  }
0xfc: {  	v18 =	vld [tilespmem:s15+$0x130]  }
0xfd: {  	[tilespmem:v10+s30+$0x0] =	vst.idx.add.f32.msk $0xffff, v15  }
0xfe: {  	[tilespmem:v11+s30+$0x0] =	vst.idx.add.f32.msk $0xffff, v16  }
0xff: {  	[tilespmem:v13+s30+$0x0] =	vst.idx.add.f32.msk $0xffff, v12  }
0x100: {  	[tilespmem:v14+s30+$0x0] =	vst.idx.add.f32.msk $0xffff, v17  }
0x101: {  	[tilespmem:v9+s30+$0x0] =	vst.idx.add.f32.msk $0xffff, v18  }
0x102: {  	v9 =	vld [tilespmem:s20+$0xFFFFFF00]  }
0x103: {  	v10 =	vld [tilespmem:s20+$0xFFFFFF80]  }
0x104: {  	v11 =	vld [tilespmem:s20+$0x0]  }
0x105: {  	v12 =	vld [tilespmem:s20+$0x80]  }
0x106: {  	v13 =	vld [tilespmem:s15+$0xFFFFFF00]  }
0x107: {  	v14 =	vld [tilespmem:s15+$0xFFFFFF80]  }
0x108: {  	v15 =	vld [tilespmem:s15+$0x0]  }
0x109: {  	v16 =	vld [tilespmem:s15+$0x80]  }
0x10a: {  	[tilespmem:v7+s30+$0x0] =	vst.idx.add.f32.msk $0xffff, v8  }
0x10b: {  	[tilespmem:v9+s30+$0x0] =	vst.idx.add.f32.msk $0xffff, v13  }
0x10c: {  	[tilespmem:v10+s30+$0x0] =	vst.idx.add.f32.msk $0xffff, v14  }
0x10d: {  	[tilespmem:v11+s30+$0x0] =	vst.idx.add.f32.msk $0xffff, v15  }
0x10e: {  	[tilespmem:v12+s30+$0x0] =	vst.idx.add.f32.msk $0xffff, v16  }
0x10f: {  	v7 =	vld [tilespmem:s20+$0xFFFFFF10]  }
0x110: {  	v8 =	vld [tilespmem:s20+$0xFFFFFF90]  }
0x111: {  	v9 =	vld [tilespmem:s20+$0x10]  }
0x112: {  	v10 =	vld [tilespmem:s20+$0x90]  }
0x113: {  	v11 =	vld [tilespmem:s15+$0xFFFFFF10]  }
0x114: {  	v12 =	vld [tilespmem:s15+$0xFFFFFF90]  }
0x115: {  	v13 =	vld [tilespmem:s15+$0x10]  }
0x116: {  	v14 =	vld [tilespmem:s15+$0x90]  }
0x117: {  	[tilespmem:v5+s30+$0x0] =	vst.idx.add.f32.msk $0xffff, v6  }
0x118: {  	[tilespmem:v7+s30+$0x0] =	vst.idx.add.f32.msk $0xffff, v11  }
0x119: {  	[tilespmem:v8+s30+$0x0] =	vst.idx.add.f32.msk $0xffff, v12  }
0x11a: {  	[tilespmem:v9+s30+$0x0] =	vst.idx.add.f32.msk $0xffff, v13  }
0x11b: {  	[tilespmem:v10+s30+$0x0] =	vst.idx.add.f32.msk $0xffff, v14  }
0x11c: {  	v5 =	vld [tilespmem:s20+$0xFFFFFF20]  }
0x11d: {  	v6 =	vld [tilespmem:s20+$0xFFFFFFA0]  }
0x11e: {  	v7 =	vld [tilespmem:s20+$0x20]  }
0x11f: {  	v8 =	vld [tilespmem:s20+$0xA0]  }
0x120: {  	v9 =	vld [tilespmem:s15+$0xFFFFFF20]  }
0x121: {  	v10 =	vld [tilespmem:s15+$0xFFFFFFA0]  }
0x122: {  	v11 =	vld [tilespmem:s15+$0x20]  }
0x123: {  	v12 =	vld [tilespmem:s15+$0xA0]  }
0x124: {  	[tilespmem:v2+s30+$0x0] =	vst.idx.add.f32.msk $0xffff, v3  }
0x125: {  	[tilespmem:v5+s30+$0x0] =	vst.idx.add.f32.msk $0xffff, v9  }
0x126: {  	[tilespmem:v6+s30+$0x0] =	vst.idx.add.f32.msk $0xffff, v10  }
0x127: {  	[tilespmem:v7+s30+$0x0] =	vst.idx.add.f32.msk $0xffff, v11  }
0x128: {  	[tilespmem:v8+s30+$0x0] =	vst.idx.add.f32.msk $0xffff, v12  }
0x129: {  	v7 =	vld [tilespmem:s20+$0xFFFFFF30]  }
0x12a: {  	v5 =	vld [tilespmem:s20+$0xFFFFFFB0]  }
0x12b: {  	v2 =	vld [tilespmem:s20+$0x30]  }
0x12c: {  	v10 =	vld [tilespmem:s20+$0xB0]  }
.Ltmp3:
0x12d: {  	v8 =	vld [tilespmem:s15+$0xFFFFFF30];
	(pc) =	sbr.rel @p2 .LBB2_5-.Ltmp3, $4  }
0x12e: {  	v6 =	vld [tilespmem:s15+$0xFFFFFFB0]  }
0x12f: {  	v3 =	vld [tilespmem:s15+$0x30]  }
0x130: {  	v9 =	vld [tilespmem:s15+$0xB0]  }
0x131: {  	s20 =	sadd.s32 $0x280, s20;
	[tilespmem:v1+s30+$0x0] =	vst.idx.add.f32.msk $0xffff, v4;
	v1 =	vmov v10  }
0x132: {  	_ =	sdelay $0x3  }
0x133: {  	[tilespmem:v7+s30+$0x0] =	vst.idx.add.f32.msk $0xffff, v8  }
0x134: {  	[tilespmem:v5+s30+$0x0] =	vst.idx.add.f32.msk $0xffff, v6  }
0x135: {  	[tilespmem:v2+s30+$0x0] =	vst.idx.add.f32.msk $0xffff, v3  }
0x136: {  	[tilespmem:v1+s30+$0x0] =	vst.idx.add.f32.msk $0xffff, v9  }
0x137: {  	p2 =	seq.s32 s4, $0x4;
	_ =	swait.ge [sflag:s31], $0x3E80  }
0x138: {  	s14 =	sadd.s32 @!p2 s14, s13;
	[sflag:s31] =	ssyncset.done $0x0  }
0x139: {  	s19 =	simm.s32 @!p2 $0x0;
	s20 =	simm.s32 @!p2 $0x7D00;
	[sflag:s31] =	ssyncadd.s32 $0xFFFFC180  }
0x13a: {  	s15 =	sshll.u32 @!p2 s14, $0x7;
	s14 =	sshll.u32 @!p2 s14, $0xA;
	_ =	swait.ge [sflag:s1], $0x3E80  }
0x13b: {  	s15 =	sand.u32 @!p2 $0x3FFFFF80, s15;
	s14 =	sadd.s32 @!p2 s10, s14;
	[sflag:s1] =	ssyncset.done $0x0  }
0x13c: {  	s15 =	sadd.s32 @!p2 s15, s3;
	s14 =	sshrl.u32 @!p2 s14, $0x3;
	[sflag:s1] =	ssyncadd.s32 $0xFFFFC180  }
0x13d: {  	[tilespmem:s19], [sflag:$0x3] =	stream.linear.gather @!p2 [spmem:s15], $0x3E80, $0x38;
	[tilespmem:$0x1C020] =	vst v63  }
0x13e: {  	s14 =	sadd.s32 @!p2 s0, s14;
	s15 =	simm.s32 @!p2 $0x80;
	s19 =	simm.s32 @!p2 $0x400  }
0x13f: {  	[tilespmem:s20], [sflag:$0x1] =	stream.strided.gather @!p2 [hbm4b:s14+s15], $0x3E80, s19, s15, $0x38;
	[tilespmem:$0x1C020] =	vst v63  }
0x140: {  	s19 =	simm.s32 $0x0  }
0x141: {  	v1 =	vld [tilespmem:s19+$0x4080]  }
0x142: {  	v2 =	vld [tilespmem:s19+$0x3E80]  }
0x143: {  	v3 =	vld [tilespmem:s19+$0x3F00]  }
0x144: {  	v4 =	vld [tilespmem:s19+$0xBD80]  }
0x145: {  	v5 =	vld [tilespmem:s19+$0x3F80]  }
0x146: {  	v6 =	vld [tilespmem:s19+$0x4000]  }
0x147: {  	v7 =	vld [tilespmem:s19+$0xBB80]  }
0x148: {  	v8 =	vld [tilespmem:s19+$0xBC00]  }
0x149: {  	s20 =	simm.s32 $0x280;
	v9 =	vld [tilespmem:s19+$0xBD00]  }
0x14a: {  	v11 =	vld [tilespmem:s20+$0x3F00]  }
0x14b: {  	v12 =	vld [tilespmem:s20+$0xBD80]  }
0x14c: {  	v13 =	vld [tilespmem:s20+$0x3F80]  }
0x14d: {  	v14 =	vld [tilespmem:s20+$0x4000]  }
0x14e: {  	v15 =	vld [tilespmem:s20+$0xBB80]  }
0x14f: {  	v16 =	vld [tilespmem:s20+$0xBC00]  }
0x150: {  	v48 =	vld [tilespmem:s20+$0xBC80]  }
0x151: {  	v17 =	vld [tilespmem:s20+$0xBD00]  }
0x152: {  	[tilespmem:v1+s30+$0x0] =	vst.idx.add.f32.msk $0xffff, v4  }
0x153: {  	v4 =	vld [tilespmem:s19+$0xBC80]  }
0x154: {  	[tilespmem:v2+s30+$0x0] =	vst.idx.add.f32.msk $0xffff, v7  }
0x155: {  	[tilespmem:v3+s30+$0x0] =	vst.idx.add.f32.msk $0xffff, v8  }
0x156: {  	[tilespmem:v6+s30+$0x0] =	vst.idx.add.f32.msk $0xffff, v9  }
0x157: {  	[tilespmem:v11+s30+$0x0] =	vst.idx.add.f32.msk $0xffff, v16  }
0x158: {  	[tilespmem:v13+s30+$0x0] =	vst.idx.add.f32.msk $0xffff, v48  }
0x159: {  	[tilespmem:v14+s30+$0x0] =	vst.idx.add.f32.msk $0xffff, v17  }
0x15a: {  	v1 =	vld [tilespmem:s19+$0x4090]  }
0x15b: {  	v10 =	vld [tilespmem:s19+$0xBD90]  }
0x15c: {  	v2 =	vld [tilespmem:s19+$0x3E90]  }
0x15d: {  	v3 =	vld [tilespmem:s19+$0x3F10]  }
0x15e: {  	v6 =	vld [tilespmem:s19+$0x4010]  }
0x15f: {  	v7 =	vld [tilespmem:s19+$0xBB90]  }
0x160: {  	v8 =	vld [tilespmem:s19+$0xBC10]  }
0x161: {  	v9 =	vld [tilespmem:s19+$0xBD10]  }
0x162: {  	v11 =	vld [tilespmem:s20+$0x3F10]  }
0x163: {  	v13 =	vld [tilespmem:s20+$0x3F90]  }
0x164: {  	v14 =	vld [tilespmem:s20+$0x4010]  }
0x165: {  	v16 =	vld [tilespmem:s20+$0xBC10]  }
0x166: {  	v50 =	vld [tilespmem:s20+$0xBC90]  }
0x167: {  	v17 =	vld [tilespmem:s20+$0xBD10]  }
0x168: {  	[tilespmem:v5+s30+$0x0] =	vst.idx.add.f32.msk $0xffff, v4  }
0x169: {  	v5 =	vld [tilespmem:s19+$0x3F90]  }
0x16a: {  	[tilespmem:v1+s30+$0x0] =	vst.idx.add.f32.msk $0xffff, v10  }
0x16b: {  	[tilespmem:v2+s30+$0x0] =	vst.idx.add.f32.msk $0xffff, v7  }
0x16c: {  	[tilespmem:v3+s30+$0x0] =	vst.idx.add.f32.msk $0xffff, v8  }
0x16d: {  	[tilespmem:v6+s30+$0x0] =	vst.idx.add.f32.msk $0xffff, v9  }
0x16e: {  	[tilespmem:v11+s30+$0x0] =	vst.idx.add.f32.msk $0xffff, v16  }
0x16f: {  	[tilespmem:v13+s30+$0x0] =	vst.idx.add.f32.msk $0xffff, v50  }
0x170: {  	[tilespmem:v14+s30+$0x0] =	vst.idx.add.f32.msk $0xffff, v17  }
0x171: {  	v1 =	vld [tilespmem:s19+$0x40A0]  }
0x172: {  	v4 =	vld [tilespmem:s19+$0xBDA0]  }
0x173: {  	v2 =	vld [tilespmem:s19+$0x3EA0]  }
0x174: {  	v3 =	vld [tilespmem:s19+$0x3F20]  }
0x175: {  	v6 =	vld [tilespmem:s19+$0x4020]  }
0x176: {  	v7 =	vld [tilespmem:s19+$0xBBA0]  }
0x177: {  	v8 =	vld [tilespmem:s19+$0xBC20]  }
0x178: {  	v9 =	vld [tilespmem:s19+$0xBD20]  }
0x179: {  	v11 =	vld [tilespmem:s20+$0x3F20]  }
0x17a: {  	v13 =	vld [tilespmem:s20+$0x3FA0]  }
0x17b: {  	v14 =	vld [tilespmem:s20+$0x4020]  }
0x17c: {  	v16 =	vld [tilespmem:s20+$0xBC20]  }
0x17d: {  	v52 =	vld [tilespmem:s20+$0xBCA0]  }
0x17e: {  	v17 =	vld [tilespmem:s20+$0xBD20]  }
0x17f: {  	[tilespmem:v1+s30+$0x0] =	vst.idx.add.f32.msk $0xffff, v4  }
0x180: {  	v4 =	vld [tilespmem:s19+$0xBC90]  }
0x181: {  	[tilespmem:v2+s30+$0x0] =	vst.idx.add.f32.msk $0xffff, v7  }
0x182: {  	[tilespmem:v3+s30+$0x0] =	vst.idx.add.f32.msk $0xffff, v8  }
0x183: {  	[tilespmem:v6+s30+$0x0] =	vst.idx.add.f32.msk $0xffff, v9  }
0x184: {  	[tilespmem:v11+s30+$0x0] =	vst.idx.add.f32.msk $0xffff, v16  }
0x185: {  	[tilespmem:v13+s30+$0x0] =	vst.idx.add.f32.msk $0xffff, v52  }
0x186: {  	[tilespmem:v14+s30+$0x0] =	vst.idx.add.f32.msk $0xffff, v17  }
0x187: {  	v1 =	vld [tilespmem:s19+$0x40B0]  }
0x188: {  	v10 =	vld [tilespmem:s19+$0xBDB0]  }
0x189: {  	v2 =	vld [tilespmem:s19+$0x3EB0]  }
0x18a: {  	v3 =	vld [tilespmem:s19+$0x3F30]  }
0x18b: {  	v6 =	vld [tilespmem:s19+$0x4030]  }
0x18c: {  	v7 =	vld [tilespmem:s19+$0xBBB0]  }
0x18d: {  	v8 =	vld [tilespmem:s19+$0xBC30]  }
0x18e: {  	v11 =	vld [tilespmem:s20+$0x3F30]  }
0x18f: {  	v13 =	vld [tilespmem:s20+$0x3FB0]  }
0x190: {  	v14 =	vld [tilespmem:s20+$0x4030]  }
0x191: {  	v16 =	vld [tilespmem:s20+$0xBC30]  }
0x192: {  	v54 =	vld [tilespmem:s20+$0xBCB0]  }
0x193: {  	v17 =	vld [tilespmem:s20+$0xBD30]  }
0x194: {  	[tilespmem:v5+s30+$0x0] =	vst.idx.add.f32.msk $0xffff, v4  }
0x195: {  	v5 =	vld [tilespmem:s19+$0x3FA0]  }
0x196: {  	[tilespmem:v1+s30+$0x0] =	vst.idx.add.f32.msk $0xffff, v10  }
0x197: {  	[tilespmem:v2+s30+$0x0] =	vst.idx.add.f32.msk $0xffff, v7  }
0x198: {  	[tilespmem:v3+s30+$0x0] =	vst.idx.add.f32.msk $0xffff, v8  }
0x199: {  	[tilespmem:v11+s30+$0x0] =	vst.idx.add.f32.msk $0xffff, v16  }
0x19a: {  	[tilespmem:v13+s30+$0x0] =	vst.idx.add.f32.msk $0xffff, v54  }
0x19b: {  	[tilespmem:v14+s30+$0x0] =	vst.idx.add.f32.msk $0xffff, v17  }
0x19c: {  	v1 =	vld [tilespmem:s19+$0x40C0]  }
0x19d: {  	v4 =	vld [tilespmem:s19+$0xBDC0]  }
0x19e: {  	v2 =	vld [tilespmem:s19+$0x3F40]  }
0x19f: {  	v11 =	vld [tilespmem:s20+$0x3FC0]  }
0x1a0: {  	v55 =	vld [tilespmem:s20+$0x4040]  }
0x1a1: {  	v57 =	vld [tilespmem:s20+$0xBC40]  }
0x1a2: {  	v58 =	vld [tilespmem:s20+$0xBCC0]  }
0x1a3: {  	v59 =	vld [tilespmem:s20+$0xBD40]  }
0x1a4: {  	[tilespmem:v1+s30+$0x0] =	vst.idx.add.f32.msk $0xffff, v4  }
0x1a5: {  	v4 =	vld [tilespmem:s19+$0xBCA0]  }
0x1a6: {  	v1 =	vld [tilespmem:s19+$0x40D0]  }
0x1a7: {  	[tilespmem:v11+s30+$0x0] =	vst.idx.add.f32.msk $0xffff, v58  }
0x1a8: {  	[tilespmem:v55+s30+$0x0] =	vst.idx.add.f32.msk $0xffff, v59  }
0x1a9: {  	v10 =	vld [tilespmem:s19+$0xBDD0]  }
0x1aa: {  	[tilespmem:v5+s30+$0x0] =	vst.idx.add.f32.msk $0xffff, v4  }
0x1ab: {  	v5 =	vld [tilespmem:s19+$0x3FB0]  }
0x1ac: {  	v61 =	vld [tilespmem:s20+$0xBCD0]  }
0x1ad: {  	v9 =	vld [tilespmem:s19+$0xBCB0]  }
0x1ae: {  	[tilespmem:v1+s30+$0x0] =	vst.idx.add.f32.msk $0xffff, v10  }
0x1af: {  	v10 =	vld [tilespmem:s19+$0xBD30]  }
0x1b0: {  	v1 =	vld [tilespmem:s19+$0x40E0]  }
0x1b1: {  	v62 =	vld [tilespmem:s20+$0xBD50]  }
0x1b2: {  	v4 =	vld [tilespmem:s19+$0xBDE0]  }
0x1b3: {  	[tilespmem:v5+s30+$0x0] =	vst.idx.add.f32.msk $0xffff, v9  }
0x1b4: {  	[tilespmem:v6+s30+$0x0] =	vst.idx.add.f32.msk $0xffff, v10  }
0x1b5: {  	v5 =	vld [tilespmem:s19+$0xBBC0]  }
0x1b6: {  	v6 =	vld [tilespmem:s19+$0xBC40]  }
0x1b7: {  	v3 =	vld [tilespmem:s19+$0x3FC0]  }
0x1b8: {  	[tilespmem:v1+s30+$0x0] =	vst.idx.add.f32.msk $0xffff, v4  }
0x1b9: {  	v9 =	vld [tilespmem:s19+$0x40F0]  }
0x1ba: {  	v7 =	vld [tilespmem:s19+$0xBCC0]  }
0x1bb: {  	v8 =	vld [tilespmem:s19+$0xBD40]  }
0x1bc: {  	v10 =	vld [tilespmem:s19+$0xBDF0]  }
0x1bd: {  	v1 =	vld [tilespmem:s19+$0x3EC0]  }
0x1be: {  	v4 =	vld [tilespmem:s19+$0x4040]  }
0x1bf: {  	[tilespmem:v2+s30+$0x0] =	vst.idx.add.f32.msk $0xffff, v6  }
0x1c0: {  	v2 =	vld [tilespmem:s19+$0x3F50]  }
0x1c1: {  	[tilespmem:v9+s30+$0x0] =	vst.idx.add.f32.msk $0xffff, v10  }
0x1c2: {  	v9 =	vld [tilespmem:s20+$0x4080]  }
0x1c3: {  	v6 =	vld [tilespmem:s19+$0xBC50]  }
0x1c4: {  	[tilespmem:v3+s30+$0x0] =	vst.idx.add.f32.msk $0xffff, v7  }
0x1c5: {  	v3 =	vld [tilespmem:s19+$0x3FD0]  }
0x1c6: {  	v7 =	vld [tilespmem:s19+$0xBCD0]  }
0x1c7: {  	[tilespmem:v1+s30+$0x0] =	vst.idx.add.f32.msk $0xffff, v5  }
0x1c8: {  	[tilespmem:v4+s30+$0x0] =	vst.idx.add.f32.msk $0xffff, v8  }
0x1c9: {  	v1 =	vld [tilespmem:s19+$0x3ED0]  }
0x1ca: {  	[tilespmem:v9+s30+$0x0] =	vst.idx.add.f32.msk $0xffff, v12  }
0x1cb: {  	v9 =	vld [tilespmem:s20+$0x4090]  }
0x1cc: {  	v4 =	vld [tilespmem:s19+$0x4050]  }
0x1cd: {  	v5 =	vld [tilespmem:s19+$0xBBD0]  }
0x1ce: {  	v18 =	vld [tilespmem:s20+$0xBD90]  }
0x1cf: {  	v8 =	vld [tilespmem:s19+$0xBD50]  }
0x1d0: {  	v10 =	vld [tilespmem:s20+$0x3E80]  }
0x1d1: {  	[tilespmem:v2+s30+$0x0] =	vst.idx.add.f32.msk $0xffff, v6  }
0x1d2: {  	v2 =	vld [tilespmem:s19+$0x3F60]  }
0x1d3: {  	[tilespmem:v9+s30+$0x0] =	vst.idx.add.f32.msk $0xffff, v18  }
0x1d4: {  	v9 =	vld [tilespmem:s20+$0x40A0]  }
0x1d5: {  	v6 =	vld [tilespmem:s19+$0xBC60]  }
0x1d6: {  	[tilespmem:v3+s30+$0x0] =	vst.idx.add.f32.msk $0xffff, v7  }
0x1d7: {  	v49 =	vld [tilespmem:s20+$0xBDA0]  }
0x1d8: {  	v3 =	vld [tilespmem:s19+$0x3FE0]  }
0x1d9: {  	v7 =	vld [tilespmem:s19+$0xBCE0]  }
0x1da: {  	[tilespmem:v1+s30+$0x0] =	vst.idx.add.f32.msk $0xffff, v5  }
0x1db: {  	[tilespmem:v4+s30+$0x0] =	vst.idx.add.f32.msk $0xffff, v8  }
0x1dc: {  	[tilespmem:v9+s30+$0x0] =	vst.idx.add.f32.msk $0xffff, v49  }
0x1dd: {  	v9 =	vld [tilespmem:s20+$0x40B0]  }
0x1de: {  	[tilespmem:v10+s30+$0x0] =	vst.idx.add.f32.msk $0xffff, v15  }
0x1df: {  	v1 =	vld [tilespmem:s19+$0x3EE0]  }
0x1e0: {  	v18 =	vld [tilespmem:s20+$0xBDB0]  }
0x1e1: {  	v4 =	vld [tilespmem:s19+$0x4060]  }
0x1e2: {  	v5 =	vld [tilespmem:s19+$0xBBE0]  }
0x1e3: {  	v8 =	vld [tilespmem:s19+$0xBD60]  }
0x1e4: {  	v10 =	vld [tilespmem:s20+$0x3E90]  }
0x1e5: {  	[tilespmem:v9+s30+$0x0] =	vst.idx.add.f32.msk $0xffff, v18  }
0x1e6: {  	v9 =	vld [tilespmem:s20+$0x40C0]  }
0x1e7: {  	v15 =	vld [tilespmem:s20+$0xBB90]  }
0x1e8: {  	[tilespmem:v2+s30+$0x0] =	vst.idx.add.f32.msk $0xffff, v6  }
0x1e9: {  	v51 =	vld [tilespmem:s20+$0xBDC0]  }
0x1ea: {  	[tilespmem:v3+s30+$0x0] =	vst.idx.add.f32.msk $0xffff, v7  }
0x1eb: {  	v7 =	vld [tilespmem:s19+$0xBC70]  }
0x1ec: {  	[tilespmem:v10+s30+$0x0] =	vst.idx.add.f32.msk $0xffff, v15  }
0x1ed: {  	v10 =	vld [tilespmem:s20+$0x3EA0]  }
0x1ee: {  	[tilespmem:v9+s30+$0x0] =	vst.idx.add.f32.msk $0xffff, v51  }
0x1ef: {  	v9 =	vld [tilespmem:s20+$0x40D0]  }
0x1f0: {  	v15 =	vld [tilespmem:s20+$0xBBA0]  }
0x1f1: {  	[tilespmem:v1+s30+$0x0] =	vst.idx.add.f32.msk $0xffff, v5  }
0x1f2: {  	v18 =	vld [tilespmem:s20+$0xBDD0]  }
0x1f3: {  	[tilespmem:v4+s30+$0x0] =	vst.idx.add.f32.msk $0xffff, v8  }
0x1f4: {  	v4 =	vld [tilespmem:s19+$0x3F70]  }
0x1f5: {  	[tilespmem:v10+s30+$0x0] =	vst.idx.add.f32.msk $0xffff, v15  }
0x1f6: {  	v10 =	vld [tilespmem:s20+$0x3EB0]  }
0x1f7: {  	[tilespmem:v9+s30+$0x0] =	vst.idx.add.f32.msk $0xffff, v18  }
0x1f8: {  	v9 =	vld [tilespmem:s20+$0x40E0]  }
0x1f9: {  	v15 =	vld [tilespmem:s20+$0xBBB0]  }
0x1fa: {  	v5 =	vld [tilespmem:s19+$0x3FF0]  }
0x1fb: {  	v53 =	vld [tilespmem:s20+$0xBDE0]  }
0x1fc: {  	v8 =	vld [tilespmem:s19+$0xBCF0]  }
0x1fd: {  	v3 =	vld [tilespmem:s19+$0x3EF0]  }
0x1fe: {  	[tilespmem:v10+s30+$0x0] =	vst.idx.add.f32.msk $0xffff, v15  }
0x1ff: {  	v10 =	vld [tilespmem:s20+$0x3F40]  }
0x200: {  	[tilespmem:v9+s30+$0x0] =	vst.idx.add.f32.msk $0xffff, v53  }
0x201: {  	v9 =	vld [tilespmem:s20+$0x40F0]  }
0x202: {  	v1 =	vld [tilespmem:s19+$0x4070]  }
0x203: {  	v6 =	vld [tilespmem:s19+$0xBBF0]  }
0x204: {  	v18 =	vld [tilespmem:s20+$0xBDF0]  }
0x205: {  	v2 =	vld [tilespmem:s19+$0xBD70]  }
0x206: {  	[tilespmem:v4+s30+$0x0] =	vst.idx.add.f32.msk $0xffff, v7  }
0x207: {  	[tilespmem:v10+s30+$0x0] =	vst.idx.add.f32.msk $0xffff, v57  }
0x208: {  	v10 =	vld [tilespmem:s20+$0x4050]  }
0x209: {  	[tilespmem:v9+s30+$0x0] =	vst.idx.add.f32.msk $0xffff, v18  }
0x20a: {  	v9 =	vld [tilespmem:s20+$0x3EC0]  }
0x20b: {  	[tilespmem:v5+s30+$0x0] =	vst.idx.add.f32.msk $0xffff, v8  }
0x20c: {  	[tilespmem:v3+s30+$0x0] =	vst.idx.add.f32.msk $0xffff, v6  }
0x20d: {  	v56 =	vld [tilespmem:s20+$0xBBC0]  }
0x20e: {  	v6 =	vld [tilespmem:s20+$0x3F50]  }
0x20f: {  	v60 =	vld [tilespmem:s20+$0xBC50]  }
0x210: {  	[tilespmem:v10+s30+$0x0] =	vst.idx.add.f32.msk $0xffff, v62  }
0x211: {  	v7 =	vld [tilespmem:s20+$0x4060]  }
0x212: {  	[tilespmem:v9+s30+$0x0] =	vst.idx.add.f32.msk $0xffff, v56  }
0x213: {  	v9 =	vld [tilespmem:s20+$0x3FD0]  }
0x214: {  	v63 =	vld [tilespmem:s20+$0xBD60]  }
0x215: {  	v3 =	vld [tilespmem:s20+$0x3ED0]  }
0x216: {  	[tilespmem:v6+s30+$0x0] =	vst.idx.add.f32.msk $0xffff, v60  }
0x217: {  	v4 =	vld [tilespmem:s20+$0x3F60]  }
0x218: {  	v11 =	vld [tilespmem:s20+$0xBBD0]  }
0x219: {  	v10 =	vld [tilespmem:s20+$0xBC60]  }
0x21a: {  	[tilespmem:v7+s30+$0x0] =	vst.idx.add.f32.msk $0xffff, v63  }
0x21b: {  	[tilespmem:v9+s30+$0x0] =	vst.idx.add.f32.msk $0xffff, v61  }
0x21c: {  	v6 =	vld [tilespmem:s20+$0x3FE0]  }
0x21d: {  	[tilespmem:v3+s30+$0x0] =	vst.idx.add.f32.msk $0xffff, v11  }
0x21e: {  	v3 =	vld [tilespmem:s20+$0x3EE0]  }
0x21f: {  	v11 =	vld [tilespmem:s20+$0xBCE0]  }
0x220: {  	[tilespmem:v4+s30+$0x0] =	vst.idx.add.f32.msk $0xffff, v10  }
0x221: {  	v9 =	vld [tilespmem:s20+$0xBBE0]  }
0x222: {  	v10 =	vld [tilespmem:s20+$0xBD70]  }
0x223: {  	v5 =	vld [tilespmem:s20+$0x3F70]  }
0x224: {  	[tilespmem:v6+s30+$0x0] =	vst.idx.add.f32.msk $0xffff, v11  }
0x225: {  	v6 =	vld [tilespmem:s20+$0xBC70]  }
0x226: {  	[tilespmem:v3+s30+$0x0] =	vst.idx.add.f32.msk $0xffff, v9  }
0x227: {  	v9 =	vld [tilespmem:s20+$0x4070]  }
0x228: {  	v3 =	vld [tilespmem:s20+$0x3FF0]  }
0x229: {  	v4 =	vld [tilespmem:s20+$0xBCF0]  }
0x22a: {  	v7 =	vld [tilespmem:s20+$0x3EF0]  }
0x22b: {  	s14 =	simm.s32 $0x5;
	s15 =	simm.s32 $0x1400;
	v8 =	vld [tilespmem:s20+$0xBBF0]  }
.LBB2_7:
0x22c: {  	s19 =	sshra.s32 s15, $0x2;
	s14 =	sadd.s32 $0x5, s14;
	[tilespmem:v1+s30+$0x0] =	vst.idx.add.f32.msk $0xffff, v2;
	v1 =	vmov v9  }
0x22d: {  	v9 =	vld [tilespmem:s19+$0x4080];
	p2 =	slt.u32 s14, $0x78  }
0x22e: {  	v11 =	vld [tilespmem:s19+$0x3E80]  }
0x22f: {  	v12 =	vld [tilespmem:s19+$0x3F00]  }
0x230: {  	v13 =	vld [tilespmem:s19+$0xBD80];
	v2 =	vmov v10  }
0x231: {  	v10 =	vld [tilespmem:s19+$0x3F80]  }
0x232: {  	v14 =	vld [tilespmem:s19+$0x4000]  }
0x233: {  	v15 =	vld [tilespmem:s19+$0xBB80]  }
0x234: {  	v16 =	vld [tilespmem:s19+$0xBC00]  }
0x235: {  	[tilespmem:v9+s30+$0x0] =	vst.idx.add.f32.msk $0xffff, v13  }
0x236: {  	v9 =	vld [tilespmem:s19+$0x4090]  }
0x237: {  	v13 =	vld [tilespmem:s19+$0xBC80]  }
0x238: {  	v17 =	vld [tilespmem:s19+$0xBD00]  }
0x239: {  	v18 =	vld [tilespmem:s19+$0xBD90]  }
0x23a: {  	[tilespmem:v11+s30+$0x0] =	vst.idx.add.f32.msk $0xffff, v15  }
0x23b: {  	[tilespmem:v12+s30+$0x0] =	vst.idx.add.f32.msk $0xffff, v16  }
0x23c: {  	[tilespmem:v10+s30+$0x0] =	vst.idx.add.f32.msk $0xffff, v13  }
0x23d: {  	[tilespmem:v14+s30+$0x0] =	vst.idx.add.f32.msk $0xffff, v17  }
0x23e: {  	[tilespmem:v9+s30+$0x0] =	vst.idx.add.f32.msk $0xffff, v18  }
0x23f: {  	v9 =	vld [tilespmem:s19+$0x40A0]  }
0x240: {  	v10 =	vld [tilespmem:s19+$0x3E90]  }
0x241: {  	v11 =	vld [tilespmem:s19+$0x3F10]  }
0x242: {  	v12 =	vld [tilespmem:s19+$0xBDA0]  }
0x243: {  	v13 =	vld [tilespmem:s19+$0x3F90]  }
0x244: {  	v14 =	vld [tilespmem:s19+$0x4010]  }
0x245: {  	v15 =	vld [tilespmem:s19+$0xBB90]  }
0x246: {  	v16 =	vld [tilespmem:s19+$0xBC10]  }
0x247: {  	[tilespmem:v9+s30+$0x0] =	vst.idx.add.f32.msk $0xffff, v12  }
0x248: {  	v9 =	vld [tilespmem:s19+$0x40B0]  }
0x249: {  	v12 =	vld [tilespmem:s19+$0xBC90]  }
0x24a: {  	v17 =	vld [tilespmem:s19+$0xBD10]  }
0x24b: {  	v18 =	vld [tilespmem:s19+$0xBDB0]  }
0x24c: {  	[tilespmem:v10+s30+$0x0] =	vst.idx.add.f32.msk $0xffff, v15  }
0x24d: {  	[tilespmem:v11+s30+$0x0] =	vst.idx.add.f32.msk $0xffff, v16  }
0x24e: {  	[tilespmem:v13+s30+$0x0] =	vst.idx.add.f32.msk $0xffff, v12  }
0x24f: {  	[tilespmem:v14+s30+$0x0] =	vst.idx.add.f32.msk $0xffff, v17  }
0x250: {  	[tilespmem:v9+s30+$0x0] =	vst.idx.add.f32.msk $0xffff, v18  }
0x251: {  	v9 =	vld [tilespmem:s19+$0x40C0]  }
0x252: {  	v10 =	vld [tilespmem:s19+$0x3EA0]  }
0x253: {  	v11 =	vld [tilespmem:s19+$0x3F20]  }
0x254: {  	v12 =	vld [tilespmem:s19+$0xBDC0]  }
0x255: {  	v13 =	vld [tilespmem:s19+$0x3FA0]  }
0x256: {  	v14 =	vld [tilespmem:s19+$0x4020]  }
0x257: {  	v15 =	vld [tilespmem:s19+$0xBBA0]  }
0x258: {  	v16 =	vld [tilespmem:s19+$0xBC20]  }
0x259: {  	[tilespmem:v9+s30+$0x0] =	vst.idx.add.f32.msk $0xffff, v12  }
0x25a: {  	v9 =	vld [tilespmem:s19+$0x40D0]  }
0x25b: {  	v12 =	vld [tilespmem:s19+$0xBCA0]  }
0x25c: {  	v17 =	vld [tilespmem:s19+$0xBD20]  }
0x25d: {  	v18 =	vld [tilespmem:s19+$0xBDD0]  }
0x25e: {  	[tilespmem:v10+s30+$0x0] =	vst.idx.add.f32.msk $0xffff, v15  }
0x25f: {  	[tilespmem:v11+s30+$0x0] =	vst.idx.add.f32.msk $0xffff, v16  }
0x260: {  	[tilespmem:v13+s30+$0x0] =	vst.idx.add.f32.msk $0xffff, v12  }
0x261: {  	[tilespmem:v14+s30+$0x0] =	vst.idx.add.f32.msk $0xffff, v17  }
0x262: {  	[tilespmem:v9+s30+$0x0] =	vst.idx.add.f32.msk $0xffff, v18  }
0x263: {  	v9 =	vld [tilespmem:s19+$0x40E0]  }
0x264: {  	v10 =	vld [tilespmem:s19+$0x3EB0]  }
0x265: {  	v11 =	vld [tilespmem:s19+$0x3F30]  }
0x266: {  	v12 =	vld [tilespmem:s19+$0xBDE0]  }
0x267: {  	v13 =	vld [tilespmem:s19+$0x3FB0]  }
0x268: {  	v14 =	vld [tilespmem:s19+$0x4030]  }
0x269: {  	v15 =	vld [tilespmem:s19+$0xBBB0]  }
0x26a: {  	v16 =	vld [tilespmem:s19+$0xBC30]  }
0x26b: {  	[tilespmem:v9+s30+$0x0] =	vst.idx.add.f32.msk $0xffff, v12  }
0x26c: {  	v9 =	vld [tilespmem:s19+$0x40F0]  }
0x26d: {  	v12 =	vld [tilespmem:s19+$0xBCB0]  }
0x26e: {  	v17 =	vld [tilespmem:s19+$0xBD30]  }
0x26f: {  	v18 =	vld [tilespmem:s19+$0xBDF0]  }
0x270: {  	[tilespmem:v10+s30+$0x0] =	vst.idx.add.f32.msk $0xffff, v15  }
0x271: {  	[tilespmem:v11+s30+$0x0] =	vst.idx.add.f32.msk $0xffff, v16  }
0x272: {  	[tilespmem:v13+s30+$0x0] =	vst.idx.add.f32.msk $0xffff, v12  }
0x273: {  	[tilespmem:v14+s30+$0x0] =	vst.idx.add.f32.msk $0xffff, v17  }
0x274: {  	[tilespmem:v9+s30+$0x0] =	vst.idx.add.f32.msk $0xffff, v18  }
0x275: {  	v9 =	vld [tilespmem:s19+$0x3EC0]  }
0x276: {  	v10 =	vld [tilespmem:s19+$0x3F40]  }
0x277: {  	v11 =	vld [tilespmem:s19+$0x3FC0]  }
0x278: {  	v12 =	vld [tilespmem:s19+$0x4040]  }
0x279: {  	v13 =	vld [tilespmem:s19+$0xBBC0]  }
0x27a: {  	v14 =	vld [tilespmem:s19+$0xBC40]  }
0x27b: {  	v15 =	vld [tilespmem:s19+$0xBCC0]  }
0x27c: {  	v16 =	vld [tilespmem:s19+$0xBD40]  }
0x27d: {  	[tilespmem:v7+s30+$0x0] =	vst.idx.add.f32.msk $0xffff, v8  }
0x27e: {  	[tilespmem:v9+s30+$0x0] =	vst.idx.add.f32.msk $0xffff, v13  }
0x27f: {  	[tilespmem:v10+s30+$0x0] =	vst.idx.add.f32.msk $0xffff, v14  }
0x280: {  	[tilespmem:v11+s30+$0x0] =	vst.idx.add.f32.msk $0xffff, v15  }
0x281: {  	[tilespmem:v12+s30+$0x0] =	vst.idx.add.f32.msk $0xffff, v16  }
0x282: {  	v7 =	vld [tilespmem:s19+$0x3ED0]  }
0x283: {  	v8 =	vld [tilespmem:s19+$0x3F50]  }
0x284: {  	v9 =	vld [tilespmem:s19+$0x3FD0]  }
0x285: {  	v10 =	vld [tilespmem:s19+$0x4050]  }
0x286: {  	v11 =	vld [tilespmem:s19+$0xBBD0]  }
0x287: {  	v12 =	vld [tilespmem:s19+$0xBC50]  }
0x288: {  	v13 =	vld [tilespmem:s19+$0xBCD0]  }
0x289: {  	v14 =	vld [tilespmem:s19+$0xBD50]  }
0x28a: {  	[tilespmem:v5+s30+$0x0] =	vst.idx.add.f32.msk $0xffff, v6  }
0x28b: {  	[tilespmem:v7+s30+$0x0] =	vst.idx.add.f32.msk $0xffff, v11  }
0x28c: {  	[tilespmem:v8+s30+$0x0] =	vst.idx.add.f32.msk $0xffff, v12  }
0x28d: {  	[tilespmem:v9+s30+$0x0] =	vst.idx.add.f32.msk $0xffff, v13  }
0x28e: {  	[tilespmem:v10+s30+$0x0] =	vst.idx.add.f32.msk $0xffff, v14  }
0x28f: {  	v5 =	vld [tilespmem:s19+$0x3EE0]  }
0x290: {  	v6 =	vld [tilespmem:s19+$0x3F60]  }
0x291: {  	v7 =	vld [tilespmem:s19+$0x3FE0]  }
0x292: {  	v8 =	vld [tilespmem:s19+$0x4060]  }
0x293: {  	v9 =	vld [tilespmem:s19+$0xBBE0]  }
0x294: {  	v10 =	vld [tilespmem:s19+$0xBC60]  }
0x295: {  	v11 =	vld [tilespmem:s19+$0xBCE0]  }
0x296: {  	v12 =	vld [tilespmem:s19+$0xBD60]  }
0x297: {  	[tilespmem:v3+s30+$0x0] =	vst.idx.add.f32.msk $0xffff, v4  }
0x298: {  	[tilespmem:v5+s30+$0x0] =	vst.idx.add.f32.msk $0xffff, v9  }
0x299: {  	[tilespmem:v6+s30+$0x0] =	vst.idx.add.f32.msk $0xffff, v10  }
0x29a: {  	[tilespmem:v7+s30+$0x0] =	vst.idx.add.f32.msk $0xffff, v11  }
0x29b: {  	[tilespmem:v8+s30+$0x0] =	vst.idx.add.f32.msk $0xffff, v12  }
0x29c: {  	v7 =	vld [tilespmem:s19+$0x3EF0]  }
0x29d: {  	v5 =	vld [tilespmem:s19+$0x3F70]  }
0x29e: {  	v3 =	vld [tilespmem:s19+$0x3FF0]  }
.Ltmp4:
0x29f: {  	v9 =	vld [tilespmem:s19+$0x4070];
	(pc) =	sbr.rel @p2 .LBB2_7-.Ltmp4, $4  }
0x2a0: {  	v8 =	vld [tilespmem:s19+$0xBBF0]  }
0x2a1: {  	v6 =	vld [tilespmem:s19+$0xBC70]  }
0x2a2: {  	v4 =	vld [tilespmem:s19+$0xBCF0]  }
0x2a3: {  	s15 =	sadd.s32 $0xA00, s15;
	v10 =	vld [tilespmem:s19+$0xBD70]  }
0x2a4: {  	_ =	sdelay $0x1  }
0x2a5: {  	s4 =	sadd.s32 $0x1, s4  }
0x2a6: {  	p2 =	sne.s32 s4, $0x5  }
.Ltmp5:
0x2a7: {  	[tilespmem:v1+s30+$0x0] =	vst.idx.add.f32.msk $0xffff, v2;
	(pc) =	sbr.rel @p2 .LBB2_4-.Ltmp5, $4  }
0x2a8: {  	[tilespmem:v7+s30+$0x0] =	vst.idx.add.f32.msk $0xffff, v8  }
0x2a9: {  	[tilespmem:v5+s30+$0x0] =	vst.idx.add.f32.msk $0xffff, v6  }
0x2aa: {  	[tilespmem:v3+s30+$0x0] =	vst.idx.add.f32.msk $0xffff, v4  }
0x2ab: {  	[tilespmem:v9+s30+$0x0] =	vst.idx.add.f32.msk $0xffff, v10  }
0x2ac: {  	[spmem:s11] =	stream.linear.scatter [tilespmem:s30], [sflag:$0x5], $0x2800, $0x38;
	[tilespmem:$0x1C020] =	vst v63  }
.Ltmp6:
0x2ad: {  	_ =	swait.ge [sflag:s21], $0x2800;
	(pc) =	sbr.rel @p1 .LBB2_13-.Ltmp6, $3  }
0x2ae: {  	[sflag:s21] =	ssyncset.done $0x0  }
0x2af: {  	[sflag:s21] =	ssyncadd.s32 $0xFFFFD800  }
0x2b0: {  	[bflag:$0x0] =	sbarrier.arrive $0xFFFF;
	_ =	sdelay $0x1  }
0x2b1: {  	s4 =	rddreg [dreg:$0x6];
	s14 =	simm.s32 $0x12200  }
0x2b2: {  	[tilespmem:s14], [sflag:$0x5] =	stream.linear.gather [spmem:s4], $0x2800, $0x38;
	[tilespmem:$0x1C020] =	vst v63  }
0x2b3: {  	_ =	swait.ge [sflag:s21], $0x2800  }
0x2b4: {  	[sflag:s21] =	ssyncset.done $0x0  }
0x2b5: {  	s4 =	simm.s32 $0xFA40;
	[sflag:s21] =	ssyncadd.s32 $0xFFFFD800  }
0x2b6: {  	s14 =	simm.s32 $0x12240;
	v2 =	vld [tilespmem:s4+$0x30]  }
0x2b7: {  	v3 =	vld [tilespmem:s14+$0x30]  }
0x2b8: {  	v1 =	vld [tilespmem:s14+$0xFFFFFFC0]  }
0x2b9: {  	v4 =	vld [tilespmem:s4+$0xFFFFFFD0]  }
0x2ba: {  	v5 =	vld [tilespmem:s14+$0xFFFFFFD0]  }
0x2bb: {  	v6 =	vld [tilespmem:s4+$0xFFFFFFE0]  }
0x2bc: {  	v7 =	vld [tilespmem:s14+$0xFFFFFFE0]  }
0x2bd: {  	v8 =	vld [tilespmem:s4+$0xFFFFFFF0]  }
0x2be: {  	v9 =	vld [tilespmem:s14+$0xFFFFFFF0]  }
0x2bf: {  	v10 =	vld [tilespmem:s4+$0x0]  }
0x2c0: {  	v11 =	vld [tilespmem:s14+$0x0];
	v3 =	vadd.f32 v3, v2  }
0x2c1: {  	v5 =	vadd.f32 v5, v4;
	v2 =	vld [tilespmem:s4+$0x10]  }
0x2c2: {  	v6 =	vadd.f32 v7, v6;
	v4 =	vld [tilespmem:s14+$0x10];
	[tilespmem:s4+$0x30] =	vst v3  }
0x2c3: {  	v7 =	vadd.f32 v9, v8;
	[tilespmem:s4+$0xFFFFFFD0] =	vst v5;
	v3 =	vld [tilespmem:s4+$0x20]  }
0x2c4: {  	[tilespmem:s4+$0xFFFFFFE0] =	vst v6;
	v6 =	vld [tilespmem:s14+$0x20]  }
0x2c5: {  	s15 =	simm.s32 $0x0;
	s19 =	simm.s32 $0xFAC0;
	v5 =	vld [tilespmem:s4+$0xFFFFFFC0];
	[tilespmem:s4+$0xFFFFFFF0] =	vst v7;
	v7 =	vadd.f32 v11, v10  }
.LBB2_11:
0x2c6: {  	v8 =	vld [tilespmem:s19+$0x30];
	s14 =	sadd.s32 $0x80, s14  }
0x2c7: {  	s15 =	sadd.s32 $0x8, s15;
	v9 =	vld [tilespmem:s14+$0x30];
	[tilespmem:s4+$0x0] =	vst v7;
	v2 =	vadd.f32 v4, v2  }
0x2c8: {  	p2 =	slt.u32 s15, $0x278;
	v4 =	vld [tilespmem:s14+$0xFFFFFFC0]  }
0x2c9: {  	v7 =	vld [tilespmem:s19+$0xFFFFFFD0];
	[tilespmem:s4+$0x10] =	vst v2;
	v2 =	vadd.f32 v6, v3  }
0x2ca: {  	v3 =	vld [tilespmem:s14+$0xFFFFFFD0];
	v10 =	vadd.f32 v1, v5  }
0x2cb: {  	v5 =	vld [tilespmem:s19+$0xFFFFFFE0];
	[tilespmem:s4+$0x20] =	vst v2  }
0x2cc: {  	v2 =	vld [tilespmem:s14+$0xFFFFFFE0];
	v6 =	vadd.f32 v9, v8;
	[tilespmem:s4+$0xFFFFFFC0] =	vst v10;
	s4 =	smov.u32 s19  }
0x2cd: {  	v8 =	vld [tilespmem:s19+$0xFFFFFFF0];
	v1 =	vmov v4  }
0x2ce: {  	v9 =	vld [tilespmem:s14+$0xFFFFFFF0];
	[tilespmem:s19+$0x30] =	vst v6  }
0x2cf: {  	v3 =	vadd.f32 v3, v7;
	v7 =	vld [tilespmem:s19+$0x0]  }
0x2d0: {  	v10 =	vld [tilespmem:s14+$0x0]  }
.Ltmp7:
0x2d1: {  	[tilespmem:s19+$0xFFFFFFD0] =	vst v3;
	v3 =	vadd.f32 v2, v5;
	v2 =	vld [tilespmem:s19+$0x10];
	(pc) =	sbr.rel @p2 .LBB2_11-.Ltmp7, $4  }
0x2d2: {  	v4 =	vld [tilespmem:s14+$0x10]  }
0x2d3: {  	[tilespmem:s19+$0xFFFFFFE0] =	vst v3;
	v8 =	vadd.f32 v9, v8;
	v3 =	vld [tilespmem:s19+$0x20]  }
0x2d4: {  	v6 =	vld [tilespmem:s14+$0x20]  }
0x2d5: {  	s19 =	sadd.s32 $0x80, s19;
	v5 =	vld [tilespmem:s4+$0xFFFFFFC0];
	[tilespmem:s4+$0xFFFFFFF0] =	vst v8;
	v7 =	vadd.f32 v10, v7  }
0x2d6: {  	_ =	sdelay $0x1  }
0x2d7: {  	v2 =	vadd.f32 v4, v2  }
0x2d8: {  	[tilespmem:s4+$0x0] =	vst v7;
	v3 =	vadd.f32 v6, v3  }
0x2d9: {  	[tilespmem:s4+$0x10] =	vst v2;
	v1 =	vadd.f32 v1, v5  }
0x2da: {  	[tilespmem:s4+$0x20] =	vst v3  }
0x2db: {  	[tilespmem:s4+$0xFFFFFFC0] =	vst v1  }
.Ltmp8:
0x2dc: {  	s20 =	simm.s32 $0x0;
	s14 =	rddreg [dreg:$0x7];
	(pc) =	sbr.rel .LBB2_13-.Ltmp8, $4  }
0x2dd: {  	[hbm4b:s14+s20] =	stream.linear.scatter [tilespmem:s30], [sflag:$0x5], $0x2710, $0x38;
	[tilespmem:$0x1C020] =	vst v63  }
0x2de: {  	_ =	swait.ge [sflag:s21], $0x2710  }
0x2df: {  	[sflag:s21] =	ssyncset.done $0x0  }
0x2e0: {  	[sflag:s21] =	ssyncadd.s32 $0xFFFFD8F0  }
.LBB2_14:
0x2e1: {  	_ =	sfence.sel $0x180000  }
0x2e2: {  	[bflag:$0x0] =	sbarrier.arrive $0xFFFF  }
0x2e3: {  	_ =	strace $0x90000047  }
0x2e4: {  	s0 =	stileid.u32;
	[bflag:$0x2] =	sbarrier.arrive $0xFFFF  }
0x2e5: {  	p0 =	sne.s32 s0, $0x0;
	s0 =	rddreg [dreg:$0x5]  }
0x2e6: {  	s0 =	sadd.s32 @!p0 $0x100000, s0  }
0x2e7: {  	[sflag:s0] =	ssyncadd.tile.s32 @!p0 $0x1;
	_ =	shalt  }
.Lfunc_end2:
_tile_overlayer_lowered:
.L_overlay_start_2:
0x2e8: {  	(tag) =	ssettag $0x2  }
0x2e9: {  	s0 =	rddreg [dreg:$0x0];
	s2 =	stileid.u32  }
0x2ea: {  	s1 =	rddreg [dreg:$0x1];
	p0 =	sne.s32 s2, $0x0  }
0x2eb: {  	s3 =	rddreg [dreg:$0x2];
	[bflag:$0x3] =	sbarrier.arrive $0xFFFF;
	s2 =	simm.s32 @!p0 $0x1C05  }
0x2ec: {  	[timem:s3], [sflag:s2] =	dma.local @!p0 [hbm:s0], s1  }
0x2ed: {  	s0 =	simm.s32 @!p0 $0x5  }
0x2ee: {  	_ =	swait.ge @!p0 [sflag:s0], s1  }
0x2ef: {  	s1 =	ssub.s32 @!p0 $0x0, s1;
	[sflag:s0] =	ssyncset.done @!p0 $0x0  }
0x2f0: {  	[sflag:s0] =	ssyncadd.s32 @!p0 s1  }
0x2f1: {  	[bflag:$0x3] =	sbarrier.arrive $0xFFFF  }
0x2f2: {  	_ =	shalt  }

</sc_bundles>
